<compile_context>
chip_gen: v7x
topology: tpu7x:2x2x1
jax: 0.10.2.dev20260603
libtpu: 0.0.44.dev20260713+nightly
codegen_flags: <defaults>
</compile_context>

<pallas_src>
import functools

import jax
import jax.numpy as jnp
from jax import lax
from jax.experimental import pallas as pl
from jax.experimental.pallas import tpu as pltpu
from jax.experimental.pallas import tpu_sc as plsc

T = 2048
D = 512
V = 5001
MASK_TOKEN = V - 1
THRESHOLD = 0.99

BT = 512
NI = T // BT
BG = 1280
NEG = -1e30


def _fused_body(enc_ref, w_ref, b_ref, wm_ref, er_ref, wo_ref,
                ids_ref, pmax_ref, g_ref, hm_ref, gm_ref, ga_ref):
    i = pl.program_id(0)

    rows = enc_ref[pl.ds(i * BT, BT), :]
    logits = jnp.dot(rows, w_ref[...], preferred_element_type=jnp.float32)
    logits = logits + b_ref[...]
    tmax = jnp.max(logits, axis=1, keepdims=True)
    targ = jnp.argmax(logits, axis=1)[:, None].astype(jnp.int32)
    tsum = jnp.sum(jnp.exp(logits - tmax), axis=1, keepdims=True)
    ids_ref[0] = targ.reshape(BT // 128, 128)
    pmax_ref[0] = jnp.exp(-jnp.log(tsum)).reshape(BT // 128, 128)

    @pl.when(i == 0)
    def _():
        mean = jnp.mean(enc_ref[...], axis=0, keepdims=True)
        hm_ref[...] = er_ref[...] + jnp.dot(
            mean, wm_ref[...], preferred_element_type=jnp.float32)
        gm_ref[0, 0] = NEG
        ga_ref[0, 0] = 0

    gl = jnp.dot(hm_ref[...], wo_ref[...],
                 preferred_element_type=jnp.float32)
    gcol = i * BG + lax.broadcasted_iota(jnp.int32, (1, BG), 1)
    glm = jnp.where(gcol < V, gl, NEG)
    gtm = jnp.max(glm)
    gta = jnp.min(jnp.where(glm == gtm, gcol, V))
    upd = gtm > gm_ref[0, 0]
    gm_ref[0, 0] = jnp.where(upd, gtm, gm_ref[0, 0])
    ga_ref[0, 0] = jnp.where(upd, gta, ga_ref[0, 0])

    @pl.when(i == NI - 1)
    def _():
        g_ref[...] = jnp.full((1, 128), ga_ref[0, 0], jnp.int32)


def _fused_tc(enc_out, W_ctc, b_ctc, W_mlm, emb_row, W_out):
    ids3, pmax3, g2 = pl.pallas_call(
        _fused_body,
        grid=(NI,),
        in_specs=[
            pl.BlockSpec((T, D), lambda i: (0, 0)),
            pl.BlockSpec((D, V), lambda i: (0, 0)),
            pl.BlockSpec((1, V), lambda i: (0, 0)),
            pl.BlockSpec((D, D), lambda i: (0, 0)),
            pl.BlockSpec((1, D), lambda i: (0, 0)),
            pl.BlockSpec((D, BG), lambda i: (0, i)),
        ],
        out_specs=[
            pl.BlockSpec((1, BT // 128, 128), lambda i: (i, 0, 0)),
            pl.BlockSpec((1, BT // 128, 128), lambda i: (i, 0, 0)),
            pl.BlockSpec((1, 128), lambda i: (0, 0)),
        ],
        out_shape=[
            jax.ShapeDtypeStruct((NI, BT // 128, 128), jnp.int32),
            jax.ShapeDtypeStruct((NI, BT // 128, 128), jnp.float32),
            jax.ShapeDtypeStruct((1, 128), jnp.int32),
        ],
        scratch_shapes=[
            pltpu.VMEM((1, D), jnp.float32),
            pltpu.SMEM((1, 1), jnp.float32),
            pltpu.SMEM((1, 1), jnp.int32),
        ],
        compiler_params=pltpu.CompilerParams(
            dimension_semantics=("arbitrary",)),
    )(enc_out, W_ctc, b_ctc.reshape(1, V), W_mlm, emb_row, W_out)
    return ids3.reshape(T), pmax3.reshape(T), g2[0]


L = 16
NCH = T // L

_GDN = lax.GatherDimensionNumbers(
    offset_dims=(), collapsed_slice_dims=(0,), start_index_map=(0,))


def _vgather(x, idx):
    return lax.gather(x, idx[:, None], _GDN, slice_sizes=(1,),
                      mode=lax.GatherScatterMode.PROMISE_IN_BOUNDS)


def _collapse_body(ids_hbm, pmax_hbm, g_hbm, y_hbm, valid_hbm,
                   ids_v, pmax_v, r_v, y_v, val_v, g_v):
    c = lax.axis_index("c")
    s = lax.axis_index("s")

    @pl.when((c == 0) & (s == 0))
    def _():
        pltpu.sync_copy(ids_hbm, ids_v)
        pltpu.sync_copy(pmax_hbm, pmax_v)
        pltpu.sync_copy(g_hbm, g_v)

        lane = lax.iota(jnp.int32, L)
        zeros = jnp.zeros((L,), jnp.int32)
        last = jnp.full((L,), L - 1, jnp.int32)
        g_vec = g_v[pl.ds(0, L)]

        def bwd(k, carry):
            carry_r, carry_id = carry
            base = (NCH - 1 - k) * L
            v_id = ids_v[pl.ds(base, L)]
            v_p = pmax_v[pl.ds(base, L)]
            nxt = _vgather(v_id, jnp.minimum(lane + 1, L - 1))
            nxt = jnp.where(lane == L - 1, carry_id, nxt)
            m = v_p
            f = jnp.where(v_id != nxt, 1, 0)
            for d in (1, 2, 4, 8):
                idx = jnp.minimum(lane + d, L - 1)
                m_s = _vgather(m, idx)
                f_s = _vgather(f, idx)
                inb = (lane + d) <= (L - 1)
                m = jnp.where((f == 0) & inb, jnp.maximum(m, m_s), m)
                f = jnp.where(inb, f | f_s, f)
            r = jnp.where(f == 0, jnp.maximum(m, carry_r), m)
            r_v[pl.ds(base, L)] = r
            return _vgather(r, zeros), _vgather(v_id, zeros)

        lax.fori_loop(0, NCH, bwd,
                      (jnp.zeros((L,), jnp.float32),
                       jnp.full((L,), -2, jnp.int32)))

        def fwd(k, carry_prev):
            base = k * L
            v_id = ids_v[pl.ds(base, L)]
            r = r_v[pl.ds(base, L)]
            prv = _vgather(v_id, jnp.maximum(lane - 1, 0))
            prv = jnp.where(lane == 0, carry_prev, prv)
            is_new = v_id != prv
            valid = is_new & (v_id != 0)
            masked = valid & (r < THRESHOLD)
            y_v[pl.ds(base, L)] = jnp.where(
                masked, g_vec, jnp.where(valid, v_id, 0))
            val_v[pl.ds(base, L)] = jnp.where(valid, 1, 0)
            return _vgather(v_id, last)

        lax.fori_loop(0, NCH, fwd, jnp.full((L,), -1, jnp.int32))

        pltpu.sync_copy(y_v, y_hbm)
        pltpu.sync_copy(val_v, valid_hbm)


@functools.cache
def _collapse():
    return pl.kernel(
        _collapse_body,
        out_type=[jax.ShapeDtypeStruct((T,), jnp.int32),
                  jax.ShapeDtypeStruct((T,), jnp.int32)],
        mesh=plsc.VectorSubcoreMesh(core_axis_name="c", subcore_axis_name="s"),
        scratch_types=[
            pltpu.VMEM((T,), jnp.int32),
            pltpu.VMEM((T,), jnp.float32),
            pltpu.VMEM((T,), jnp.float32),
            pltpu.VMEM((T,), jnp.int32),
            pltpu.VMEM((T,), jnp.int32),
            pltpu.VMEM((128,), jnp.int32),
        ],
    )


def kernel(enc_out, W_ctc, b_ctc, emb, W_mlm, W_out):
    ids, pmax, g_row = _fused_tc(enc_out, W_ctc, b_ctc, W_mlm,
                                 emb[MASK_TOKEN:MASK_TOKEN + 1], W_out)
    y, valid_i = _collapse()(ids, pmax, g_row)
    return y, valid_i.astype(bool)

# --- scband reference (transcript-rebuilt; emitter-appended) ---
"""Pipeline reference for scband-mask-ctcinference-69028714381600 (READ-ONLY COPY).

The authoritative reference and input builder live on the scoring server;
editing this copy changes nothing except your own understanding.
"""

import jax, jax.numpy as jnp
import numpy as np

T = 2048
D = 512
V = 5001  # vocab_size 5000 + appended <mask>
MASK_TOKEN = V - 1
N_ITERATIONS = 5
THRESHOLD = 0.99


def setup_inputs(seed: int = 0):
    key = jax.random.key(seed)
    k1, k2, k3, k4, k5 = jax.random.split(key, 5)
    enc_out = jax.random.normal(k1, (T, D), dtype=jnp.float32)
    W_ctc = jax.random.normal(k2, (D, V), dtype=jnp.float32) * 0.02
    b_ctc = jnp.zeros((V,), dtype=jnp.float32)
    emb = jax.random.normal(k3, (V, D), dtype=jnp.float32) * 0.02
    W_mlm = jax.random.normal(k4, (D, D), dtype=jnp.float32) * 0.02
    W_out = jax.random.normal(k5, (D, V), dtype=jnp.float32) * 0.02
    return {"enc_out": enc_out, "W_ctc": W_ctc, "b_ctc": b_ctc,
            "emb": emb, "W_mlm": W_mlm, "W_out": W_out}


def _mlm_decoder(enc_out, emb, W_mlm, W_out, y_in):
    # simplified masked-LM decoder: token embedding + encoder context -> vocab logits
    h = jnp.take(emb, y_in, axis=0)                          # [T, D] gather
    ctx = jnp.mean(enc_out, axis=0, keepdims=True) @ W_mlm   # [1, D]
    h = h + ctx
    return h @ W_out                                          # [T, V]


def reference(enc_out, W_ctc, b_ctc, emb, W_mlm, W_out):
    # --- CTC greedy decode: probs/ids = exp(log_softmax).max(-1) ---
    logits = enc_out @ W_ctc + b_ctc
    logp = jax.nn.log_softmax(logits, axis=-1)
    ctc_probs = jnp.exp(logp)
    ctc_ids = jnp.argmax(logp, axis=-1)           # [T]
    ctc_pmax = jnp.max(ctc_probs, axis=-1)        # [T]

    # --- collapse repeats (itertools.groupby) with static length T ---
    prev = jnp.concatenate([jnp.full((1,), -1, ctc_ids.dtype), ctc_ids[:-1]])
    is_new = ctc_ids != prev                       # run starts
    run_id = jnp.cumsum(is_new.astype(jnp.int32)) - 1
    run_max = jax.ops.segment_max(ctc_pmax, run_id, num_segments=T)
    probs_hat = jnp.take(run_max, run_id)          # per-position max prob of its run
    valid = is_new & (ctc_ids != 0)                # non-blank run starts (y_idx)

    # --- threshold masking ---
    low_conf = probs_hat < THRESHOLD
    mask_pos = valid & low_conf
    y_in = jnp.where(mask_pos, MASK_TOKEN,
                     jnp.where(valid, ctc_ids, 0)).astype(jnp.int32)
    mask_num = jnp.sum(mask_pos)

    # --- iterative mask-predict refinement ---
    K = N_ITERATIONS
    num_iter = jnp.where(mask_num >= K, K, mask_num)
    n_fill = mask_num // jnp.maximum(num_iter, 1)

    def _body(i, y_in):
        pred = _mlm_decoder(enc_out, emb, W_mlm, W_out, y_in)   # [T, V]
        pred_id = jnp.argmax(pred, axis=-1)
        pred_score = jnp.max(pred, axis=-1)
        cur_mask = y_in == MASK_TOKEN
        score = jnp.where(cur_mask, pred_score, -jnp.inf)
        _, cand = jax.lax.top_k(score, T)                        # most confident masked slots first
        take = jnp.arange(T) < n_fill
        new_vals = jnp.where(take, pred_id[cand].astype(jnp.int32), y_in[cand])
        return y_in.at[cand].set(new_vals)

    y_in = jax.lax.fori_loop(0, num_iter - 1, _body, y_in)
    pred = _mlm_decoder(enc_out, emb, W_mlm, W_out, y_in)
    cur_mask = y_in == MASK_TOKEN
    y_in = jnp.where(cur_mask, jnp.argmax(pred, axis=-1).astype(jnp.int32), y_in)

    # y_in: decoded token ids at run-start positions; valid marks real (non-blank) tokens
    return y_in, valid

if __name__ == "__main__":
    import jax
    _d = setup_inputs()
    print(jax.jit(kernel)(*tuple(_d.values())))

</pallas_src>

<mosaic_0001>
#map = affine_map<(d0, d1) -> (0)>
module attributes {stable_mosaic.version = 14 : i64} {
  func.func @_collapse_body(%arg0: i32, %arg1: i32, %arg2: memref<2048xi32, #tpu.memory_space<hbm>>, %arg3: memref<2048xf32, #tpu.memory_space<hbm>>, %arg4: memref<128xi32, #tpu.memory_space<hbm>>, %arg5: memref<2048xi32, #tpu.memory_space<hbm>>, %arg6: memref<2048xi32, #tpu.memory_space<hbm>>, %arg7: memref<2048xi32, #tpu.memory_space<vmem>>, %arg8: memref<2048xf32, #tpu.memory_space<vmem>>, %arg9: memref<2048xf32, #tpu.memory_space<vmem>>, %arg10: memref<2048xi32, #tpu.memory_space<vmem>>, %arg11: memref<2048xi32, #tpu.memory_space<vmem>>, %arg12: memref<128xi32, #tpu.memory_space<vmem>>) attributes {dimension_semantics = [#tpu.dimension_semantics<core_parallel>, #tpu.dimension_semantics<subcore_parallel>], iteration_bounds = array<i64: 2, 16>, scalar_prefetch = 0 : i64, scratch_operands = 6 : i64, tpu.core_type = #tpu.core_type<sc_vector_subcore>, window_params = [{transform_indices = #map}, {transform_indices = #map}, {transform_indices = #map}, {transform_indices = #map}, {transform_indices = #map}]} {
    %eq3A = arith.constant 0 : i32
    %eq3A_0 = arith.cmpi eq, %arg0, %eq3A : i32
    %eq3A_1 = arith.constant 0 : i32
    %eq3A_2 = arith.cmpi eq, %arg1, %eq3A_1 : i32
    %and3A = arith.andi %eq3A_0, %eq3A_2 : i1
    %convert_element_type3A = arith.extui %and3A : i1 to i32
    %cond3A = arith.constant 0 : i32
    %cond3A_3 = arith.cmpi ne, %convert_element_type3A, %cond3A : i32
    scf.if %cond3A_3 {
      "tpu.region"() ({
        %run_scoped3A = tpu.sem_alloc : memref<!tpu.dma_semaphore, #tpu.memory_space<semaphore_mem>>
        tpu.enqueue_dma source(%arg2 : memref<2048xi32, #tpu.memory_space<hbm>>) target(%arg7 : memref<2048xi32, #tpu.memory_space<vmem>>) target_semaphore(%run_scoped3A : memref<!tpu.dma_semaphore, #tpu.memory_space<semaphore_mem>>)
        tpu.wait_dma2 semaphore(%run_scoped3A : memref<!tpu.dma_semaphore, #tpu.memory_space<semaphore_mem>>) src(%arg2 : memref<2048xi32, #tpu.memory_space<hbm>>) dst(%arg7 : memref<2048xi32, #tpu.memory_space<vmem>>)
        tpu.yield
      }) : () -> ()
      "tpu.region"() ({
        %run_scoped3A = tpu.sem_alloc : memref<!tpu.dma_semaphore, #tpu.memory_space<semaphore_mem>>
        tpu.enqueue_dma source(%arg3 : memref<2048xf32, #tpu.memory_space<hbm>>) target(%arg8 : memref<2048xf32, #tpu.memory_space<vmem>>) target_semaphore(%run_scoped3A : memref<!tpu.dma_semaphore, #tpu.memory_space<semaphore_mem>>)
        tpu.wait_dma2 semaphore(%run_scoped3A : memref<!tpu.dma_semaphore, #tpu.memory_space<semaphore_mem>>) src(%arg3 : memref<2048xf32, #tpu.memory_space<hbm>>) dst(%arg8 : memref<2048xf32, #tpu.memory_space<vmem>>)
        tpu.yield
      }) : () -> ()
      "tpu.region"() ({
        %run_scoped3A = tpu.sem_alloc : memref<!tpu.dma_semaphore, #tpu.memory_space<semaphore_mem>>
        tpu.enqueue_dma source(%arg4 : memref<128xi32, #tpu.memory_space<hbm>>) target(%arg12 : memref<128xi32, #tpu.memory_space<vmem>>) target_semaphore(%run_scoped3A : memref<!tpu.dma_semaphore, #tpu.memory_space<semaphore_mem>>)
        tpu.wait_dma2 semaphore(%run_scoped3A : memref<!tpu.dma_semaphore, #tpu.memory_space<semaphore_mem>>) src(%arg4 : memref<128xi32, #tpu.memory_space<hbm>>) dst(%arg12 : memref<128xi32, #tpu.memory_space<vmem>>)
        tpu.yield
      }) : () -> ()
      %iota3A = tpu.iota {dimensions = array<i32: 0>} : vector<16xi32>
      %broadcast_in_dim3A = arith.constant 0 : i32
      %broadcast_in_dim3A_4 = vector.broadcast %broadcast_in_dim3A : i32 to vector<16xi32>
      %broadcast_in_dim3A_5 = arith.constant 15 : i32
      %broadcast_in_dim3A_6 = vector.broadcast %broadcast_in_dim3A_5 : i32 to vector<16xi32>
      %get3A = arith.constant 0 : index
      %get3A_7 = tpu.vector_load %arg12[%get3A] {strides = array<i32>} : memref<128xi32, #tpu.memory_space<vmem>>, vector<16xi32>,
      %get3A_8 = vector.shape_cast %get3A_7 : vector<16xi32> to vector<16xi32>
      %broadcast_in_dim3A_9 = arith.constant 0.000000e+00 : f32
      %broadcast_in_dim3A_10 = vector.broadcast %broadcast_in_dim3A_9 : f32 to vector<16xf32>
      %broadcast_in_dim3A_11 = arith.constant -2 : i32
      %broadcast_in_dim3A_12 = vector.broadcast %broadcast_in_dim3A_11 : i32 to vector<16xi32>
      %scan3A = arith.constant 0 : i32
      %scan3A_13 = arith.constant 128 : i32
      %scan3A_14 = arith.addi %scan3A, %scan3A_13 : i32
      %scan3A_15 = arith.constant 1 : i32
      %scan3A_16:2 = scf.for %scan3A_26 = %scan3A to %scan3A_14 step %scan3A_15 iter_args(%scan3A_27 = %broadcast_in_dim3A_10, %scan3A_28 = %broadcast_in_dim3A_12) -> (vector<16xf32>, vector<16xi32>)  : i32 {
        %sub3A = arith.constant 127 : i32
        %sub3A_29 = arith.subi %sub3A, %scan3A_26 : i32
        %mul3A = arith.constant 16 : i32
        %mul3A_30 = arith.muli %sub3A_29, %mul3A : i32
        %get3A_31 = arith.index_cast %mul3A_30 : i32 to index
        %get3A_32 = tpu.vector_load %arg7[%get3A_31] {strides = array<i32>} : memref<2048xi32, #tpu.memory_space<vmem>>, vector<16xi32>,
        %get3A_33 = vector.shape_cast %get3A_32 : vector<16xi32> to vector<16xi32>
        %get3A_34 = arith.index_cast %mul3A_30 : i32 to index
        %get3A_35 = tpu.vector_load %arg8[%get3A_34] {strides = array<i32>} : memref<2048xf32, #tpu.memory_space<vmem>>, vector<16xf32>,
        %get3A_36 = vector.shape_cast %get3A_35 : vector<16xf32> to vector<16xf32>
        %add3A = arith.constant 1 : i32
        %add3A_37 = vector.broadcast %add3A : i32 to vector<16xi32>
        %add3A_38 = arith.addi %iota3A, %add3A_37 : vector<16xi32>
        %min3A = arith.constant 15 : i32
        %min3A_39 = vector.broadcast %min3A : i32 to vector<16xi32>
        %min3A_40 = arith.minsi %add3A_38, %min3A_39 : vector<16xi32>
        %broadcast_in_dim3A_41 = vector.shape_cast %min3A_40 : vector<16xi32> to vector<16x1xi32>
        %gather3A = vector.shape_cast %broadcast_in_dim3A_41 : vector<16x1xi32> to vector<16xi32>
        %gather3A_42 = tpu.dynamic_gather %get3A_33[%gather3A] in [0] : vector<16xi32>, vector<16xi32> -> vector<16xi32>
        %eq3A_43 = arith.constant 15 : i32
        %eq3A_44 = vector.broadcast %eq3A_43 : i32 to vector<16xi32>
        %eq3A_45 = arith.cmpi eq, %iota3A, %eq3A_44 : vector<16xi32>
        %select_n3A = arith.select %eq3A_45, %scan3A_28, %gather3A_42 : vector<16xi1>, vector<16xi32>
        %ne3A = arith.cmpi ne, %get3A_33, %select_n3A : vector<16xi32>
        %jit3A = arith.constant 1 : i32
        %jit3A_46 = arith.constant 0 : i32
        %broadcast_in_dim3A_47 = vector.broadcast %jit3A : i32 to vector<16xi32>
        %broadcast_in_dim3A_48 = vector.broadcast %jit3A_46 : i32 to vector<16xi32>
        %select_n3A_49 = arith.select %ne3A, %broadcast_in_dim3A_47, %broadcast_in_dim3A_48 : vector<16xi1>, vector<16xi32>
        %add3A_50 = arith.constant 1 : i32
        %add3A_51 = vector.broadcast %add3A_50 : i32 to vector<16xi32>
        %add3A_52 = arith.addi %iota3A, %add3A_51 : vector<16xi32>
        %min3A_53 = arith.constant 15 : i32
        %min3A_54 = vector.broadcast %min3A_53 : i32 to vector<16xi32>
        %min3A_55 = arith.minsi %add3A_52, %min3A_54 : vector<16xi32>
        %broadcast_in_dim3A_56 = vector.shape_cast %min3A_55 : vector<16xi32> to vector<16x1xi32>
        %gather3A_57 = vector.shape_cast %broadcast_in_dim3A_56 : vector<16x1xi32> to vector<16xi32>
        %gather3A_58 = tpu.dynamic_gather %get3A_36[%gather3A_57] in [0] : vector<16xf32>, vector<16xi32> -> vector<16xf32>
        %broadcast_in_dim3A_59 = vector.shape_cast %min3A_55 : vector<16xi32> to vector<16x1xi32>
        %gather3A_60 = vector.shape_cast %broadcast_in_dim3A_59 : vector<16x1xi32> to vector<16xi32>
        %gather3A_61 = tpu.dynamic_gather %select_n3A_49[%gather3A_60] in [0] : vector<16xi32>, vector<16xi32> -> vector<16xi32>
        %add3A_62 = arith.constant 1 : i32
        %add3A_63 = vector.broadcast %add3A_62 : i32 to vector<16xi32>
        %add3A_64 = arith.addi %iota3A, %add3A_63 : vector<16xi32>
        %le3A = arith.constant 15 : i32
        %le3A_65 = vector.broadcast %le3A : i32 to vector<16xi32>
        %le3A_66 = arith.cmpi sle, %add3A_64, %le3A_65 : vector<16xi32>
        %eq3A_67 = arith.constant 0 : i32
        %eq3A_68 = vector.broadcast %eq3A_67 : i32 to vector<16xi32>
        %eq3A_69 = arith.cmpi eq, %select_n3A_49, %eq3A_68 : vector<16xi32>
        %and3A_70 = arith.andi %eq3A_69, %le3A_66 : vector<16xi1>
        %max3A = arith.maximumf %get3A_36, %gather3A_58 : vector<16xf32>
        %select_n3A_71 = arith.select %and3A_70, %max3A, %get3A_36 : vector<16xi1>, vector<16xf32>
        %or3A = arith.ori %select_n3A_49, %gather3A_61 : vector<16xi32>
        %select_n3A_72 = arith.select %le3A_66, %or3A, %select_n3A_49 : vector<16xi1>, vector<16xi32>
        %add3A_73 = arith.constant 2 : i32
        %add3A_74 = vector.broadcast %add3A_73 : i32 to vector<16xi32>
        %add3A_75 = arith.addi %iota3A, %add3A_74 : vector<16xi32>
        %min3A_76 = arith.constant 15 : i32
        %min3A_77 = vector.broadcast %min3A_76 : i32 to vector<16xi32>
        %min3A_78 = arith.minsi %add3A_75, %min3A_77 : vector<16xi32>
        %broadcast_in_dim3A_79 = vector.shape_cast %min3A_78 : vector<16xi32> to vector<16x1xi32>
        %gather3A_80 = vector.shape_cast %broadcast_in_dim3A_79 : vector<16x1xi32> to vector<16xi32>
        %gather3A_81 = tpu.dynamic_gather %select_n3A_71[%gather3A_80] in [0] : vector<16xf32>, vector<16xi32> -> vector<16xf32>
        %broadcast_in_dim3A_82 = vector.shape_cast %min3A_78 : vector<16xi32> to vector<16x1xi32>
        %gather3A_83 = vector.shape_cast %broadcast_in_dim3A_82 : vector<16x1xi32> to vector<16xi32>
        %gather3A_84 = tpu.dynamic_gather %select_n3A_72[%gather3A_83] in [0] : vector<16xi32>, vector<16xi32> -> vector<16xi32>
        %add3A_85 = arith.constant 2 : i32
        %add3A_86 = vector.broadcast %add3A_85 : i32 to vector<16xi32>
        %add3A_87 = arith.addi %iota3A, %add3A_86 : vector<16xi32>
        %le3A_88 = arith.constant 15 : i32
        %le3A_89 = vector.broadcast %le3A_88 : i32 to vector<16xi32>
        %le3A_90 = arith.cmpi sle, %add3A_87, %le3A_89 : vector<16xi32>
        %eq3A_91 = arith.constant 0 : i32
        %eq3A_92 = vector.broadcast %eq3A_91 : i32 to vector<16xi32>
        %eq3A_93 = arith.cmpi eq, %select_n3A_72, %eq3A_92 : vector<16xi32>
        %and3A_94 = arith.andi %eq3A_93, %le3A_90 : vector<16xi1>
        %max3A_95 = arith.maximumf %select_n3A_71, %gather3A_81 : vector<16xf32>
        %select_n3A_96 = arith.select %and3A_94, %max3A_95, %select_n3A_71 : vector<16xi1>, vector<16xf32>
        %or3A_97 = arith.ori %select_n3A_72, %gather3A_84 : vector<16xi32>
        %select_n3A_98 = arith.select %le3A_90, %or3A_97, %select_n3A_72 : vector<16xi1>, vector<16xi32>
        %add3A_99 = arith.constant 4 : i32
        %add3A_100 = vector.broadcast %add3A_99 : i32 to vector<16xi32>
        %add3A_101 = arith.addi %iota3A, %add3A_100 : vector<16xi32>
        %min3A_102 = arith.constant 15 : i32
        %min3A_103 = vector.broadcast %min3A_102 : i32 to vector<16xi32>
        %min3A_104 = arith.minsi %add3A_101, %min3A_103 : vector<16xi32>
        %broadcast_in_dim3A_105 = vector.shape_cast %min3A_104 : vector<16xi32> to vector<16x1xi32>
        %gather3A_106 = vector.shape_cast %broadcast_in_dim3A_105 : vector<16x1xi32> to vector<16xi32>
        %gather3A_107 = tpu.dynamic_gather %select_n3A_96[%gather3A_106] in [0] : vector<16xf32>, vector<16xi32> -> vector<16xf32>
        %broadcast_in_dim3A_108 = vector.shape_cast %min3A_104 : vector<16xi32> to vector<16x1xi32>
        %gather3A_109 = vector.shape_cast %broadcast_in_dim3A_108 : vector<16x1xi32> to vector<16xi32>
        %gather3A_110 = tpu.dynamic_gather %select_n3A_98[%gather3A_109] in [0] : vector<16xi32>, vector<16xi32> -> vector<16xi32>
        %add3A_111 = arith.constant 4 : i32
        %add3A_112 = vector.broadcast %add3A_111 : i32 to vector<16xi32>
        %add3A_113 = arith.addi %iota3A, %add3A_112 : vector<16xi32>
        %le3A_114 = arith.constant 15 : i32
        %le3A_115 = vector.broadcast %le3A_114 : i32 to vector<16xi32>
        %le3A_116 = arith.cmpi sle, %add3A_113, %le3A_115 : vector<16xi32>
        %eq3A_117 = arith.constant 0 : i32
        %eq3A_118 = vector.broadcast %eq3A_117 : i32 to vector<16xi32>
        %eq3A_119 = arith.cmpi eq, %select_n3A_98, %eq3A_118 : vector<16xi32>
        %and3A_120 = arith.andi %eq3A_119, %le3A_116 : vector<16xi1>
        %max3A_121 = arith.maximumf %select_n3A_96, %gather3A_107 : vector<16xf32>
        %select_n3A_122 = arith.select %and3A_120, %max3A_121, %select_n3A_96 : vector<16xi1>, vector<16xf32>
        %or3A_123 = arith.ori %select_n3A_98, %gather3A_110 : vector<16xi32>
        %select_n3A_124 = arith.select %le3A_116, %or3A_123, %select_n3A_98 : vector<16xi1>, vector<16xi32>
        %add3A_125 = arith.constant 8 : i32
        %add3A_126 = vector.broadcast %add3A_125 : i32 to vector<16xi32>
        %add3A_127 = arith.addi %iota3A, %add3A_126 : vector<16xi32>
        %min3A_128 = arith.constant 15 : i32
        %min3A_129 = vector.broadcast %min3A_128 : i32 to vector<16xi32>
        %min3A_130 = arith.minsi %add3A_127, %min3A_129 : vector<16xi32>
        %broadcast_in_dim3A_131 = vector.shape_cast %min3A_130 : vector<16xi32> to vector<16x1xi32>
        %gather3A_132 = vector.shape_cast %broadcast_in_dim3A_131 : vector<16x1xi32> to vector<16xi32>
        %gather3A_133 = tpu.dynamic_gather %select_n3A_122[%gather3A_132] in [0] : vector<16xf32>, vector<16xi32> -> vector<16xf32>
        %broadcast_in_dim3A_134 = vector.shape_cast %min3A_130 : vector<16xi32> to vector<16x1xi32>
        %gather3A_135 = vector.shape_cast %broadcast_in_dim3A_134 : vector<16x1xi32> to vector<16xi32>
        %gather3A_136 = tpu.dynamic_gather %select_n3A_124[%gather3A_135] in [0] : vector<16xi32>, vector<16xi32> -> vector<16xi32>
        %add3A_137 = arith.constant 8 : i32
        %add3A_138 = vector.broadcast %add3A_137 : i32 to vector<16xi32>
        %add3A_139 = arith.addi %iota3A, %add3A_138 : vector<16xi32>
        %le3A_140 = arith.constant 15 : i32
        %le3A_141 = vector.broadcast %le3A_140 : i32 to vector<16xi32>
        %le3A_142 = arith.cmpi sle, %add3A_139, %le3A_141 : vector<16xi32>
        %eq3A_143 = arith.constant 0 : i32
        %eq3A_144 = vector.broadcast %eq3A_143 : i32 to vector<16xi32>
        %eq3A_145 = arith.cmpi eq, %select_n3A_124, %eq3A_144 : vector<16xi32>
        %and3A_146 = arith.andi %eq3A_145, %le3A_142 : vector<16xi1>
        %max3A_147 = arith.maximumf %select_n3A_122, %gather3A_133 : vector<16xf32>
        %select_n3A_148 = arith.select %and3A_146, %max3A_147, %select_n3A_122 : vector<16xi1>, vector<16xf32>
        %or3A_149 = arith.ori %select_n3A_124, %gather3A_136 : vector<16xi32>
        %select_n3A_150 = arith.select %le3A_142, %or3A_149, %select_n3A_124 : vector<16xi1>, vector<16xi32>
        %eq3A_151 = arith.constant 0 : i32
        %eq3A_152 = vector.broadcast %eq3A_151 : i32 to vector<16xi32>
        %eq3A_153 = arith.cmpi eq, %select_n3A_150, %eq3A_152 : vector<16xi32>
        %max3A_154 = arith.maximumf %select_n3A_148, %scan3A_27 : vector<16xf32>
        %select_n3A_155 = arith.select %eq3A_153, %max3A_154, %select_n3A_148 : vector<16xi1>, vector<16xf32>
        %swap3A = arith.index_cast %mul3A_30 : i32 to index
        %swap3A_156 = tpu.vector_load %arg9[%swap3A] {strides = array<i32>} : memref<2048xf32, #tpu.memory_space<vmem>>, vector<16xf32>,
        %swap3A_157 = vector.shape_cast %swap3A_156 : vector<16xf32> to vector<16xf32>
        %swap3A_158 = vector.shape_cast %select_n3A_155 : vector<16xf32> to vector<16xf32>
        tpu.vector_store %arg9[%swap3A], %swap3A_158 {strides = array<i32>} : memref<2048xf32, #tpu.memory_space<vmem>>, vector<16xf32>,
        %broadcast_in_dim3A_159 = vector.shape_cast %broadcast_in_dim3A_4 : vector<16xi32> to vector<16x1xi32>
        %gather3A_160 = vector.shape_cast %broadcast_in_dim3A_159 : vector<16x1xi32> to vector<16xi32>
        %gather3A_161 = tpu.dynamic_gather %select_n3A_155[%gather3A_160] in [0] : vector<16xf32>, vector<16xi32> -> vector<16xf32>
        %broadcast_in_dim3A_162 = vector.shape_cast %broadcast_in_dim3A_4 : vector<16xi32> to vector<16x1xi32>
        %gather3A_163 = vector.shape_cast %broadcast_in_dim3A_162 : vector<16x1xi32> to vector<16xi32>
        %gather3A_164 = tpu.dynamic_gather %get3A_33[%gather3A_163] in [0] : vector<16xi32>, vector<16xi32> -> vector<16xi32>
        scf.yield %gather3A_161, %gather3A_164 : vector<16xf32>, vector<16xi32>
      }
      %scan3A_17 = arith.constant 128 : i32
      %broadcast_in_dim3A_18 = arith.constant -1 : i32
      %broadcast_in_dim3A_19 = vector.broadcast %broadcast_in_dim3A_18 : i32 to vector<16xi32>
      %scan3A_20 = arith.constant 0 : i32
      %scan3A_21 = arith.constant 128 : i32
      %scan3A_22 = arith.addi %scan3A_20, %scan3A_21 : i32
      %scan3A_23 = arith.constant 1 : i32
      %scan3A_24 = scf.for %scan3A_26 = %scan3A_20 to %scan3A_22 step %scan3A_23 iter_args(%scan3A_27 = %broadcast_in_dim3A_19) -> (vector<16xi32>)  : i32 {
        %mul3A = arith.constant 16 : i32
        %mul3A_28 = arith.muli %scan3A_26, %mul3A : i32
        %get3A_29 = arith.index_cast %mul3A_28 : i32 to index
        %get3A_30 = tpu.vector_load %arg7[%get3A_29] {strides = array<i32>} : memref<2048xi32, #tpu.memory_space<vmem>>, vector<16xi32>,
        %get3A_31 = vector.shape_cast %get3A_30 : vector<16xi32> to vector<16xi32>
        %get3A_32 = arith.index_cast %mul3A_28 : i32 to index
        %get3A_33 = tpu.vector_load %arg9[%get3A_32] {strides = array<i32>} : memref<2048xf32, #tpu.memory_space<vmem>>, vector<16xf32>,
        %get3A_34 = vector.shape_cast %get3A_33 : vector<16xf32> to vector<16xf32>
        %sub3A = arith.constant 1 : i32
        %sub3A_35 = vector.broadcast %sub3A : i32 to vector<16xi32>
        %sub3A_36 = arith.subi %iota3A, %sub3A_35 : vector<16xi32>
        %max3A = arith.constant 0 : i32
        %max3A_37 = vector.broadcast %max3A : i32 to vector<16xi32>
        %max3A_38 = arith.maxsi %sub3A_36, %max3A_37 : vector<16xi32>
        %broadcast_in_dim3A_39 = vector.shape_cast %max3A_38 : vector<16xi32> to vector<16x1xi32>
        %gather3A = vector.shape_cast %broadcast_in_dim3A_39 : vector<16x1xi32> to vector<16xi32>
        %gather3A_40 = tpu.dynamic_gather %get3A_31[%gather3A] in [0] : vector<16xi32>, vector<16xi32> -> vector<16xi32>
        %eq3A_41 = arith.constant 0 : i32
        %eq3A_42 = vector.broadcast %eq3A_41 : i32 to vector<16xi32>
        %eq3A_43 = arith.cmpi eq, %iota3A, %eq3A_42 : vector<16xi32>
        %select_n3A = arith.select %eq3A_43, %scan3A_27, %gather3A_40 : vector<16xi1>, vector<16xi32>
        %ne3A = arith.cmpi ne, %get3A_31, %select_n3A : vector<16xi32>
        %ne3A_44 = arith.constant 0 : i32
        %ne3A_45 = vector.broadcast %ne3A_44 : i32 to vector<16xi32>
        %ne3A_46 = arith.cmpi ne, %get3A_31, %ne3A_45 : vector<16xi32>
        %and3A_47 = arith.andi %ne3A, %ne3A_46 : vector<16xi1>
        %lt3A = arith.constant 9.900000e-01 : f32
        %lt3A_48 = vector.broadcast %lt3A : f32 to vector<16xf32>
        %lt3A_49 = arith.cmpf olt, %get3A_34, %lt3A_48 : vector<16xf32>
        %and3A_50 = arith.andi %and3A_47, %lt3A_49 : vector<16xi1>
        %jit3A = arith.constant 0 : i32
        %broadcast_in_dim3A_51 = vector.broadcast %jit3A : i32 to vector<16xi32>
        %select_n3A_52 = arith.select %and3A_47, %get3A_31, %broadcast_in_dim3A_51 : vector<16xi1>, vector<16xi32>
        %select_n3A_53 = arith.select %and3A_50, %get3A_8, %select_n3A_52 : vector<16xi1>, vector<16xi32>
        %swap3A = arith.index_cast %mul3A_28 : i32 to index
        %swap3A_54 = tpu.vector_load %arg10[%swap3A] {strides = array<i32>} : memref<2048xi32, #tpu.memory_space<vmem>>, vector<16xi32>,
        %swap3A_55 = vector.shape_cast %swap3A_54 : vector<16xi32> to vector<16xi32>
        %swap3A_56 = vector.shape_cast %select_n3A_53 : vector<16xi32> to vector<16xi32>
        tpu.vector_store %arg10[%swap3A], %swap3A_56 {strides = array<i32>} : memref<2048xi32, #tpu.memory_space<vmem>>, vector<16xi32>,
        %jit3A_57 = arith.constant 1 : i32
        %jit3A_58 = arith.constant 0 : i32
        %broadcast_in_dim3A_59 = vector.broadcast %jit3A_57 : i32 to vector<16xi32>
        %broadcast_in_dim3A_60 = vector.broadcast %jit3A_58 : i32 to vector<16xi32>
        %select_n3A_61 = arith.select %and3A_47, %broadcast_in_dim3A_59, %broadcast_in_dim3A_60 : vector<16xi1>, vector<16xi32>
        %swap3A_62 = arith.index_cast %mul3A_28 : i32 to index
        %swap3A_63 = tpu.vector_load %arg11[%swap3A_62] {strides = array<i32>} : memref<2048xi32, #tpu.memory_space<vmem>>, vector<16xi32>,
        %swap3A_64 = vector.shape_cast %swap3A_63 : vector<16xi32> to vector<16xi32>
        %swap3A_65 = vector.shape_cast %select_n3A_61 : vector<16xi32> to vector<16xi32>
        tpu.vector_store %arg11[%swap3A_62], %swap3A_65 {strides = array<i32>} : memref<2048xi32, #tpu.memory_space<vmem>>, vector<16xi32>,
        %broadcast_in_dim3A_66 = vector.shape_cast %broadcast_in_dim3A_6 : vector<16xi32> to vector<16x1xi32>
        %gather3A_67 = vector.shape_cast %broadcast_in_dim3A_66 : vector<16x1xi32> to vector<16xi32>
        %gather3A_68 = tpu.dynamic_gather %get3A_31[%gather3A_67] in [0] : vector<16xi32>, vector<16xi32> -> vector<16xi32>
        scf.yield %gather3A_68 : vector<16xi32>
      }
      %scan3A_25 = arith.constant 128 : i32
      "tpu.region"() ({
        %run_scoped3A = tpu.sem_alloc : memref<!tpu.dma_semaphore, #tpu.memory_space<semaphore_mem>>
        tpu.enqueue_dma source(%arg10 : memref<2048xi32, #tpu.memory_space<vmem>>) target(%arg5 : memref<2048xi32, #tpu.memory_space<hbm>>) target_semaphore(%run_scoped3A : memref<!tpu.dma_semaphore, #tpu.memory_space<semaphore_mem>>)
        tpu.wait_dma2 semaphore(%run_scoped3A : memref<!tpu.dma_semaphore, #tpu.memory_space<semaphore_mem>>) src(%arg10 : memref<2048xi32, #tpu.memory_space<vmem>>) dst(%arg5 : memref<2048xi32, #tpu.memory_space<hbm>>)
        tpu.yield
      }) : () -> ()
      "tpu.region"() ({
        %run_scoped3A = tpu.sem_alloc : memref<!tpu.dma_semaphore, #tpu.memory_space<semaphore_mem>>
        tpu.enqueue_dma source(%arg11 : memref<2048xi32, #tpu.memory_space<vmem>>) target(%arg6 : memref<2048xi32, #tpu.memory_space<hbm>>) target_semaphore(%run_scoped3A : memref<!tpu.dma_semaphore, #tpu.memory_space<semaphore_mem>>)
        tpu.wait_dma2 semaphore(%run_scoped3A : memref<!tpu.dma_semaphore, #tpu.memory_space<semaphore_mem>>) src(%arg11 : memref<2048xi32, #tpu.memory_space<vmem>>) dst(%arg6 : memref<2048xi32, #tpu.memory_space<hbm>>)
        tpu.yield
      }) : () -> ()
    } else {
    }
    return
  }
}

module attributes {stable_mosaic.version = 14 : i64} {
  func.func @_fused_body(%arg0: i32, %arg1: memref<2048x512xf32, #tpu.memory_space<vmem>>, %arg2: memref<512x5001xf32, #tpu.memory_space<vmem>>, %arg3: memref<1x5001xf32, #tpu.memory_space<vmem>>, %arg4: memref<512x512xf32, #tpu.memory_space<vmem>>, %arg5: memref<1x512xf32, #tpu.memory_space<vmem>>, %arg6: memref<512x1280xf32, #tpu.memory_space<vmem>>, %arg7: memref<1x4x128xi32, #tpu.memory_space<vmem>>, %arg8: memref<1x4x128xf32, #tpu.memory_space<vmem>>, %arg9: memref<1x128xi32, #tpu.memory_space<vmem>>, %arg10: memref<1x512xf32, #tpu.memory_space<vmem>>, %arg11: memref<1x1xf32, #tpu.memory_space<smem>>, %arg12: memref<1x1xi32, #tpu.memory_space<smem>>) attributes {dimension_semantics = [#tpu.dimension_semantics<arbitrary>], iteration_bounds = array<i64: 4>, scalar_prefetch = 0 : i64, scratch_operands = 3 : i64, tpu.core_type = #tpu.core_type<tc>, window_params = [{pipeline_mode = #tpu.pipeline_mode<synchronous>, transform_indices = @transform_0, window_bounds = array<i64: 2048, 512>}, {pipeline_mode = #tpu.pipeline_mode<synchronous>, transform_indices = @transform_1, window_bounds = array<i64: 512, 5001>}, {pipeline_mode = #tpu.pipeline_mode<synchronous>, transform_indices = @transform_2, window_bounds = array<i64: 1, 5001>}, {pipeline_mode = #tpu.pipeline_mode<synchronous>, transform_indices = @transform_3, window_bounds = array<i64: 512, 512>}, {pipeline_mode = #tpu.pipeline_mode<synchronous>, transform_indices = @transform_4, window_bounds = array<i64: 1, 512>}, {transform_indices = @transform_5, window_bounds = array<i64: 512, 1280>}, {transform_indices = @transform_6, window_bounds = array<i64: 1, 4, 128>}, {transform_indices = @transform_7, window_bounds = array<i64: 1, 4, 128>}, {pipeline_mode = #tpu.pipeline_mode<synchronous>, transform_indices = @transform_8, window_bounds = array<i64: 1, 128>}]} {
    %mul3A = arith.constant 512 : i32
    %mul3A_0 = arith.muli %arg0, %mul3A : i32
    %get3A = arith.index_cast %mul3A_0 : i32 to index
    %get3A_1 = arith.constant 0 : index
    %get3A_2 = vector.load %arg1[%get3A, %get3A_1] : memref<2048x512xf32, #tpu.memory_space<vmem>>, vector<512x512xf32>
    %get3A_3 = arith.constant 0 : index
    %get3A_4 = arith.constant 0 : index
    %get3A_5 = vector.load %arg2[%get3A_3, %get3A_4] : memref<512x5001xf32, #tpu.memory_space<vmem>>, vector<512x5001xf32>
    %dot_general3A = arith.constant dense<0.000000e+00> : vector<512x5001xf32>
    %dot_general3A_6 = tpu.matmul %get3A_2, %get3A_5, %dot_general3A {dimension_numbers = #tpu.dot_dimension_numbers<[1], [0], [0], [1], [0, 0, 1, 1], [], []>, transpose_lhs_hint = false} : vector<512x512xf32>, vector<512x5001xf32>, vector<512x5001xf32> -> vector<512x5001xf32>
    %get3A_7 = arith.constant 0 : index
    %get3A_8 = arith.constant 0 : index
    %get3A_9 = vector.load %arg3[%get3A_7, %get3A_8] : memref<1x5001xf32, #tpu.memory_space<vmem>>, vector<1x5001xf32>
    %add3A = vector.broadcast %get3A_9 : vector<1x5001xf32> to vector<512x5001xf32>
    %add3A_10 = arith.addf %dot_general3A_6, %add3A : vector<512x5001xf32>
    %reduce_max3A = arith.constant dense<0xFF800000> : vector<512xf32>
    %reduce_max3A_11 = vector.multi_reduction <maximumf>, %add3A_10, %reduce_max3A [1] : vector<512x5001xf32> to vector<512xf32>
    %broadcast_in_dim3A = vector.shape_cast %reduce_max3A_11 : vector<512xf32> to vector<512x1xf32>
    %argmax3A = tpu.reduce_index %add3A_10 {axis = 1 : i32, kind = #tpu.reduction_kind<arg_max>} : vector<512x5001xf32> -> vector<512xi32>
    %broadcast_in_dim3A_12 = vector.shape_cast %argmax3A : vector<512xi32> to vector<512x1xi32>
    %sub3A = vector.broadcast %broadcast_in_dim3A : vector<512x1xf32> to vector<512x5001xf32>
    %sub3A_13 = arith.subf %add3A_10, %sub3A : vector<512x5001xf32>
    %exp3A = math.exp %sub3A_13 : vector<512x5001xf32>
    %reduce_sum3A = arith.constant dense<0.000000e+00> : vector<512xf32>
    %reduce_sum3A_14 = vector.multi_reduction <add>, %exp3A, %reduce_sum3A [1] : vector<512x5001xf32> to vector<512xf32>
    %broadcast_in_dim3A_15 = vector.shape_cast %reduce_sum3A_14 : vector<512xf32> to vector<512x1xf32>
    %reshape3A = vector.shape_cast %broadcast_in_dim3A_12 : vector<512x1xi32> to vector<4x128xi32>
    %swap3A = arith.constant 0 : index
    %swap3A_16 = arith.constant 0 : index
    %swap3A_17 = arith.constant 0 : index
    %swap3A_18 = vector.load %arg7[%swap3A, %swap3A_16, %swap3A_17] : memref<1x4x128xi32, #tpu.memory_space<vmem>>, vector<1x4x128xi32>
    %swap3A_19 = vector.shape_cast %swap3A_18 : vector<1x4x128xi32> to vector<4x128xi32>
    %swap3A_20 = vector.shape_cast %reshape3A : vector<4x128xi32> to vector<1x4x128xi32>
    tpu.vector_store %arg7[%swap3A, %swap3A_16, %swap3A_17], %swap3A_20 {strides = array<i32>} : memref<1x4x128xi32, #tpu.memory_space<vmem>>, vector<1x4x128xi32>,
    %log3A = math.log %broadcast_in_dim3A_15 : vector<512x1xf32>
    %neg3A = arith.constant 0.000000e+00 : f32
    %neg3A_21 = vector.broadcast %neg3A : f32 to vector<512x1xf32>
    %neg3A_22 = arith.subf %neg3A_21, %log3A : vector<512x1xf32>
    %exp3A_23 = math.exp %neg3A_22 : vector<512x1xf32>
    %reshape3A_24 = vector.shape_cast %exp3A_23 : vector<512x1xf32> to vector<4x128xf32>
    %swap3A_25 = arith.constant 0 : index
    %swap3A_26 = arith.constant 0 : index
    %swap3A_27 = arith.constant 0 : index
    %swap3A_28 = vector.load %arg8[%swap3A_25, %swap3A_26, %swap3A_27] : memref<1x4x128xf32, #tpu.memory_space<vmem>>, vector<1x4x128xf32>
    %swap3A_29 = vector.shape_cast %swap3A_28 : vector<1x4x128xf32> to vector<4x128xf32>
    %swap3A_30 = vector.shape_cast %reshape3A_24 : vector<4x128xf32> to vector<1x4x128xf32>
    tpu.vector_store %arg8[%swap3A_25, %swap3A_26, %swap3A_27], %swap3A_30 {strides = array<i32>} : memref<1x4x128xf32, #tpu.memory_space<vmem>>, vector<1x4x128xf32>,
    %eq3A = arith.constant 0 : i32
    %eq3A_31 = arith.cmpi eq, %arg0, %eq3A : i32
    %convert_element_type3A = arith.extui %eq3A_31 : i1 to i32
    %cond3A = arith.constant 0 : i32
    %cond3A_32 = arith.cmpi ne, %convert_element_type3A, %cond3A : i32
    scf.if %cond3A_32 {
      %get3A_84 = arith.constant 0 : index
      %get3A_85 = arith.constant 0 : index
      %get3A_86 = vector.load %arg1[%get3A_84, %get3A_85] : memref<2048x512xf32, #tpu.memory_space<vmem>>, vector<2048x512xf32>
      %reduce_sum3A_87 = arith.constant dense<0.000000e+00> : vector<512xf32>
      %reduce_sum3A_88 = vector.multi_reduction <add>, %get3A_86, %reduce_sum3A_87 [0] : vector<2048x512xf32> to vector<512xf32>
      %broadcast_in_dim3A_89 = vector.shape_cast %reduce_sum3A_88 : vector<512xf32> to vector<1x512xf32>
      %div3A = arith.constant 2.048000e+03 : f32
      %div3A_90 = vector.broadcast %div3A : f32 to vector<1x512xf32>
      %div3A_91 = arith.divf %broadcast_in_dim3A_89, %div3A_90 : vector<1x512xf32>
      %get3A_92 = arith.constant 0 : index
      %get3A_93 = arith.constant 0 : index
      %get3A_94 = vector.load %arg5[%get3A_92, %get3A_93] : memref<1x512xf32, #tpu.memory_space<vmem>>, vector<1x512xf32>
      %get3A_95 = arith.constant 0 : index
      %get3A_96 = arith.constant 0 : index
      %get3A_97 = vector.load %arg4[%get3A_95, %get3A_96] : memref<512x512xf32, #tpu.memory_space<vmem>>, vector<512x512xf32>
      %dot_general3A_98 = arith.constant dense<0.000000e+00> : vector<1x512xf32>
      %dot_general3A_99 = tpu.matmul %div3A_91, %get3A_97, %dot_general3A_98 {dimension_numbers = #tpu.dot_dimension_numbers<[1], [0], [0], [1], [0, 0, 1, 1], [], []>, transpose_lhs_hint = false} : vector<1x512xf32>, vector<512x512xf32>, vector<1x512xf32> -> vector<1x512xf32>
      %add3A_100 = arith.addf %get3A_94, %dot_general3A_99 : vector<1x512xf32>
      %swap3A_101 = arith.constant 0 : index
      %swap3A_102 = arith.constant 0 : index
      %swap3A_103 = vector.load %arg10[%swap3A_101, %swap3A_102] : memref<1x512xf32, #tpu.memory_space<vmem>>, vector<1x512xf32>
      tpu.vector_store %arg10[%swap3A_101, %swap3A_102], %add3A_100 {strides = array<i32>} : memref<1x512xf32, #tpu.memory_space<vmem>>, vector<1x512xf32>,
      %swap3A_104 = arith.constant -1.000000e+30 : f32
      %swap3A_105 = arith.constant 0 : index
      %swap3A_106 = arith.constant 0 : index
      %swap3A_107 = memref.load %arg11[%swap3A_105, %swap3A_106] : memref<1x1xf32, #tpu.memory_space<smem>>
      memref.store %swap3A_104, %arg11[%swap3A_105, %swap3A_106] : memref<1x1xf32, #tpu.memory_space<smem>>
      %swap3A_108 = arith.constant 0 : i32
      %swap3A_109 = arith.constant 0 : index
      %swap3A_110 = arith.constant 0 : index
      %swap3A_111 = memref.load %arg12[%swap3A_109, %swap3A_110] : memref<1x1xi32, #tpu.memory_space<smem>>
      memref.store %swap3A_108, %arg12[%swap3A_109, %swap3A_110] : memref<1x1xi32, #tpu.memory_space<smem>>
    } else {
    }
    %get3A_33 = arith.constant 0 : index
    %get3A_34 = arith.constant 0 : index
    %get3A_35 = vector.load %arg10[%get3A_33, %get3A_34] : memref<1x512xf32, #tpu.memory_space<vmem>>, vector<1x512xf32>
    %get3A_36 = arith.constant 0 : index
    %get3A_37 = arith.constant 0 : index
    %get3A_38 = vector.load %arg6[%get3A_36, %get3A_37] : memref<512x1280xf32, #tpu.memory_space<vmem>>, vector<512x1280xf32>
    %dot_general3A_39 = arith.constant dense<0.000000e+00> : vector<1x1280xf32>
    %dot_general3A_40 = tpu.matmul %get3A_35, %get3A_38, %dot_general3A_39 {dimension_numbers = #tpu.dot_dimension_numbers<[1], [0], [0], [1], [0, 0, 1, 1], [], []>, transpose_lhs_hint = false} : vector<1x512xf32>, vector<512x1280xf32>, vector<1x1280xf32> -> vector<1x1280xf32>
    %mul3A_41 = arith.constant 1280 : i32
    %mul3A_42 = arith.muli %arg0, %mul3A_41 : i32
    %iota3A = tpu.iota {dimensions = array<i32: 1>} : vector<1x1280xi32>
    %add3A_43 = vector.broadcast %mul3A_42 : i32 to vector<1x1280xi32>
    %add3A_44 = arith.addi %add3A_43, %iota3A : vector<1x1280xi32>
    %lt3A = arith.constant 5001 : i32
    %lt3A_45 = vector.broadcast %lt3A : i32 to vector<1x1280xi32>
    %lt3A_46 = arith.cmpi slt, %add3A_44, %lt3A_45 : vector<1x1280xi32>
    %jit3A = arith.constant -1.000000e+30 : f32
    %broadcast_in_dim3A_47 = vector.broadcast %jit3A : f32 to vector<1x1280xf32>
    %select_n3A = arith.select %lt3A_46, %dot_general3A_40, %broadcast_in_dim3A_47 : vector<1x1280xi1>, vector<1x1280xf32>
    %reduce_max3A_48 = vector.shape_cast %select_n3A : vector<1x1280xf32> to vector<1x1x1280xf32>
    %reduce_max3A_49 = arith.constant dense<0xFF800000> : vector<1xf32>
    %reduce_max3A_50 = vector.multi_reduction <maximumf>, %reduce_max3A_48, %reduce_max3A_49 [1, 2] : vector<1x1x1280xf32> to vector<1xf32>
    %reduce_max3A_51 = vector.shape_cast %reduce_max3A_50 : vector<1xf32> to vector<1x1x1xf32>
    %reduce_max3A_52 = vector.extract %reduce_max3A_51[0, 0, 0] : f32 from vector<1x1x1xf32>
    %eq3A_53 = vector.broadcast %reduce_max3A_52 : f32 to vector<1x1280xf32>
    %eq3A_54 = arith.cmpf oeq, %select_n3A, %eq3A_53 : vector<1x1280xf32>
    %jit3A_55 = arith.constant 5001 : i32
    %broadcast_in_dim3A_56 = vector.broadcast %jit3A_55 : i32 to vector<1x1280xi32>
    %select_n3A_57 = arith.select %eq3A_54, %add3A_44, %broadcast_in_dim3A_56 : vector<1x1280xi1>, vector<1x1280xi32>
    %reduce_min3A = vector.shape_cast %select_n3A_57 : vector<1x1280xi32> to vector<1x1x1280xi32>
    %reduce_min3A_58 = arith.constant dense<2147483647> : vector<1xi32>
    %reduce_min3A_59 = vector.multi_reduction <minsi>, %reduce_min3A, %reduce_min3A_58 [1, 2] : vector<1x1x1280xi32> to vector<1xi32>
    %reduce_min3A_60 = vector.shape_cast %reduce_min3A_59 : vector<1xi32> to vector<1x1x1xi32>
    %reduce_min3A_61 = vector.extract %reduce_min3A_60[0, 0, 0] : i32 from vector<1x1x1xi32>
    %get3A_62 = arith.constant 0 : index
    %get3A_63 = arith.constant 0 : index
    %get3A_64 = memref.load %arg11[%get3A_62, %get3A_63] : memref<1x1xf32, #tpu.memory_space<smem>>
    %gt3A = arith.cmpf ogt, %reduce_max3A_52, %get3A_64 : f32
    %get3A_65 = arith.constant 0 : index
    %get3A_66 = arith.constant 0 : index
    %get3A_67 = memref.load %arg11[%get3A_65, %get3A_66] : memref<1x1xf32, #tpu.memory_space<smem>>
    %select_n3A_68 = arith.select %gt3A, %reduce_max3A_52, %get3A_67 : f32
    %swap3A_69 = arith.constant 0 : index
    %swap3A_70 = arith.constant 0 : index
    %swap3A_71 = memref.load %arg11[%swap3A_69, %swap3A_70] : memref<1x1xf32, #tpu.memory_space<smem>>
    memref.store %select_n3A_68, %arg11[%swap3A_69, %swap3A_70] : memref<1x1xf32, #tpu.memory_space<smem>>
    %get3A_72 = arith.constant 0 : index
    %get3A_73 = arith.constant 0 : index
    %get3A_74 = memref.load %arg12[%get3A_72, %get3A_73] : memref<1x1xi32, #tpu.memory_space<smem>>
    %select_n3A_75 = arith.select %gt3A, %reduce_min3A_61, %get3A_74 : i32
    %swap3A_76 = arith.constant 0 : index
    %swap3A_77 = arith.constant 0 : index
    %swap3A_78 = memref.load %arg12[%swap3A_76, %swap3A_77] : memref<1x1xi32, #tpu.memory_space<smem>>
    memref.store %select_n3A_75, %arg12[%swap3A_76, %swap3A_77] : memref<1x1xi32, #tpu.memory_space<smem>>
    %eq3A_79 = arith.constant 3 : i32
    %eq3A_80 = arith.cmpi eq, %arg0, %eq3A_79 : i32
    %convert_element_type3A_81 = arith.extui %eq3A_80 : i1 to i32
    %cond3A_82 = arith.constant 0 : i32
    %cond3A_83 = arith.cmpi ne, %convert_element_type3A_81, %cond3A_82 : i32
    scf.if %cond3A_83 {
      %get3A_84 = arith.constant 0 : index
      %get3A_85 = arith.constant 0 : index
      %get3A_86 = memref.load %arg12[%get3A_84, %get3A_85] : memref<1x1xi32, #tpu.memory_space<smem>>
      %broadcast_in_dim3A_87 = vector.broadcast %get3A_86 : i32 to vector<1x128xi32>
      %swap3A_88 = arith.constant 0 : index
      %swap3A_89 = arith.constant 0 : index
      %swap3A_90 = vector.load %arg9[%swap3A_88, %swap3A_89] : memref<1x128xi32, #tpu.memory_space<vmem>>, vector<1x128xi32>
      tpu.vector_store %arg9[%swap3A_88, %swap3A_89], %broadcast_in_dim3A_87 {strides = array<i32>} : memref<1x128xi32, #tpu.memory_space<vmem>>, vector<1x128xi32>,
    } else {
    }
    return
  }
  func.func @transform_0(%arg0: i32) -> (i32, i32) {
    %c0_i32 = arith.constant 0 : i32
    %c0_i32_0 = arith.constant 0 : i32
    %c0_i32_1 = arith.constant 0 : i32
    return %c0_i32, %c0_i32_0 : i32, i32
  }
  func.func @transform_1(%arg0: i32) -> (i32, i32) {
    %c0_i32 = arith.constant 0 : i32
    %c0_i32_0 = arith.constant 0 : i32
    %c0_i32_1 = arith.constant 0 : i32
    return %c0_i32, %c0_i32_0 : i32, i32
  }
  func.func @transform_2(%arg0: i32) -> (i32, i32) {
    %c0_i32 = arith.constant 0 : i32
    %c0_i32_0 = arith.constant 0 : i32
    %c0_i32_1 = arith.constant 0 : i32
    return %c0_i32, %c0_i32_0 : i32, i32
  }
  func.func @transform_3(%arg0: i32) -> (i32, i32) {
    %c0_i32 = arith.constant 0 : i32
    %c0_i32_0 = arith.constant 0 : i32
    %c0_i32_1 = arith.constant 0 : i32
    return %c0_i32, %c0_i32_0 : i32, i32
  }
  func.func @transform_4(%arg0: i32) -> (i32, i32) {
    %c0_i32 = arith.constant 0 : i32
    %c0_i32_0 = arith.constant 0 : i32
    %c0_i32_1 = arith.constant 0 : i32
    return %c0_i32, %c0_i32_0 : i32, i32
  }
  func.func @transform_5(%arg0: i32) -> (i32, i32) {
    %c0_i32 = arith.constant 0 : i32
    %c0_i32_0 = arith.constant 0 : i32
    return %c0_i32, %arg0 : i32, i32
  }
  func.func @transform_6(%arg0: i32) -> (i32, i32, i32) {
    %c0_i32 = arith.constant 0 : i32
    %c0_i32_0 = arith.constant 0 : i32
    %c0_i32_1 = arith.constant 0 : i32
    return %arg0, %c0_i32, %c0_i32_0 : i32, i32, i32
  }
  func.func @transform_7(%arg0: i32) -> (i32, i32, i32) {
    %c0_i32 = arith.constant 0 : i32
    %c0_i32_0 = arith.constant 0 : i32
    %c0_i32_1 = arith.constant 0 : i32
    return %arg0, %c0_i32, %c0_i32_0 : i32, i32, i32
  }
  func.func @transform_8(%arg0: i32) -> (i32, i32) {
    %c0_i32 = arith.constant 0 : i32
    %c0_i32_0 = arith.constant 0 : i32
    %c0_i32_1 = arith.constant 0 : i32
    return %c0_i32, %c0_i32_0 : i32, i32
  }
}

</mosaic_0001>

<sc_bundles>
// kernel: kernel.4.cloned.1.call-start
scs
__scs_entry_jumppad:
0x0: {  	(pc) =	sbr.rel $0x88, $3  }
0x1: {  	(tag) =	ssettag $0x0;
	lr =	simm.s32 $0x1  }
0x2: {  	[smem:$0x3F9B] =	sst lr;
	_ =	strace $0xD0000000  }
0x3: {  	_ = 	snop  }
0x4: {  	_ = 	snop  }
0x5: {  	_ = 	snop  }
0x6: {  	_ = 	snop  }
0x7: {  	_ = 	snop  }
__scs_overlays_trampoline_lowered:
0x8: {  	[smem:$0x3FAA] =	sst s0  }
0x9: {  	[smem:$0x3FAB] =	sst s1  }
0xa: {  	[smem:$0x3FAC] =	sst s2  }
0xb: {  	[smem:$0x3FAD] =	sst s3  }
0xc: {  	[smem:$0x3FAE] =	sst s4  }
0xd: {  	[smem:$0x3FAF] =	sst s5  }
0xe: {  	[smem:$0x3FB0] =	sst s6  }
0xf: {  	[smem:$0x3FB1] =	sst s7  }
0x10: {  	[smem:$0x3FB2] =	sst s8  }
0x11: {  	[smem:$0x3FB3] =	sst s9;
	s0 =	simm.s32 @!p0 $0x0  }
0x12: {  	s1 =	sld [smem:$0x3F99];
	s0 =	simm.s32 @p0 $0x1  }
0x13: {  	[smem:$0x3FB4] =	sst s0;
	s0 =	simm.s32 @!p1 $0x0  }
0x14: {  	s2 =	sld [smem:$0x3F98];
	s0 =	simm.s32 @p1 $0x1  }
0x15: {  	[smem:$0x3FB5] =	sst s0;
	s0 =	simm.s32 @!p2 $0x0  }
0x16: {  	s3 =	sld [smem:$0x3FDB];
	s0 =	simm.s32 @p2 $0x1  }
0x17: {  	s4 =	simm.s32 $0x1BF5;
	[smem:$0x3FB7] =	sst s0  }
0x18: {  	s0 =	sld [smem:$0x3F9A];
	_ =	swait.ge [sflag:s4], $0x0  }
0x19: {  	s7 =	sld [smem:$0x3F9B]  }
0x1a: {  	s8 =	sadd.s32 $0xFFFFE003, lr  }
0x1b: {  	s9 =	sadd.s32 $0xFFFFFEF7, lr;
	s5 =	simm.s32 $0xFFFFFFFF;
	p2 =	slt.u32 s8, $0xFFFFF086  }
0x1c: {  	p1 =	slt.u32 s9, $0xF7A;
	s5 =	simm.s32 @!p2 $0x0  }
0x1d: {  	s5 =	simm.s32 @p1 $0x1;
	p0 =	seq.s32 s7, s2  }
0x1e: {  	s7 =	smul.u32 @!p0 $0xF7A, s2;
	p2 =	seq.s32 @!p0 s5, $0x0  }
0x1f: {  	s9 =	smul.u32 $0xF7A, s1;
	s8 =	simm.s32 @!p0 $0x1BF5;
	p2 =	por !p2, p0  }
0x20: {  	[sflag:s8] =	ssyncset.s32 @!p0 $0xFFFFF086;
	s6 =	sadd.s32 @!p0 s3, s7;
	s7 =	simm.s32 @!p0 $0x108  }
0x21: {  	s3 =	sadd.s32 s3, s9;
	s6 =	sadd.s32 @!p0 $0x88, s6;
	s7 =	simm.s32 @p2 $0x1082  }
0x22: {  	[simem:s7], [sflag:s8] =	dma.local @!p0 [hbm:s6], $0xF7A  }
0x23: {  	s9 =	sor.u32 $0xD0000000, s2;
	s6 =	simm.s32 $0x108;
	_ =	swait.ge @!p0 [sflag:s8], $0x0  }
0x24: {  	s3 =	sadd.s32 $0x88, s3;
	s6 =	simm.s32 @!p1 $0x1082;
	[sflag:s4] =	ssyncset.s32 $0xFFFFF086  }
0x25: {  	[simem:s6], [sflag:s4] =	dma.local [hbm:s3], $0xF7A  }
0x26: {  	[smem:$0x3F9B] =	sst s1;
	(tag) =	ssettag s2;
	_ =	strace s9  }
0x27: {  	s1 =	sld [smem:$0x3FAB]  }
0x28: {  	s2 =	sld [smem:$0x3FAC]  }
0x29: {  	s4 =	sld [smem:$0x3FAE]  }
0x2a: {  	p0 =	seq.s32 s5, $0x0;
	s5 =	sld [smem:$0x3FAF]  }
0x2b: {  	s6 =	sld [smem:$0x3FB0]  }
0x2c: {  	s7 =	sld [smem:$0x3FB1]  }
0x2d: {  	s3 =	simm.s32 $0x108;
	s8 =	sld [smem:$0x3FB2]  }
0x2e: {  	s3 =	simm.s32 @!p0 $0x1082;
	s9 =	sld [smem:$0x3FB3]  }
0x2f: {  	lr =	sadd.s32 s0, s3;
	s0 =	sld [smem:$0x3FAA]  }
0x30: {  	s3 =	sld [smem:$0x3FAD]  }
0x31: {  	[smem:$0x3FB6] =	sst s10  }
0x32: {  	s10 =	sld [smem:$0x3FB4];
	_ =	sdelay $0x3  }
0x33: {  	p0 =	seq.s32 s10, $0x1;
	s10 =	sld [smem:$0x3FB6];
	_ =	sdelay $0x3  }
0x34: {  	[smem:$0x3FB6] =	sst s10  }
0x35: {  	s10 =	sld [smem:$0x3FB5];
	_ =	sdelay $0x3  }
0x36: {  	p1 =	seq.s32 s10, $0x1;
	s10 =	sld [smem:$0x3FB6];
	_ =	sdelay $0x3  }
0x37: {  	[smem:$0x3FB6] =	sst s10  }
0x38: {  	s10 =	sld [smem:$0x3FB7]  }
0x39: {  	_ = 	snop;
	(pc) =	sbr.ind lr, $3  }
0x3a: {  	_ = 	snop  }
0x3b: {  	_ = 	snop  }
0x3c: {  	p2 =	seq.s32 s10, $0x1;
	s10 =	sld [smem:$0x3FB6]  }
0x3d: {  	_ =	shalt  }
0x3e: {  	_ =	shalt  }
0x3f: {  	_ =	shalt  }
0x40: {  	_ =	shalt  }
0x41: {  	_ =	shalt  }
0x42: {  	_ =	shalt  }
0x43: {  	_ =	shalt  }
0x44: {  	_ =	shalt  }
0x45: {  	_ =	shalt  }
0x46: {  	_ =	shalt  }
0x47: {  	_ =	shalt  }
0x48: {  	_ =	shalt  }
0x49: {  	_ =	shalt  }
0x4a: {  	_ =	shalt  }
0x4b: {  	_ =	shalt  }
0x4c: {  	_ =	shalt  }
0x4d: {  	_ =	shalt  }
0x4e: {  	_ =	shalt  }
0x4f: {  	_ =	shalt  }
0x50: {  	_ =	shalt  }
0x51: {  	_ =	shalt  }
0x52: {  	_ =	shalt  }
0x53: {  	_ =	shalt  }
0x54: {  	_ =	shalt  }
0x55: {  	_ =	shalt  }
0x56: {  	_ =	shalt  }
0x57: {  	_ =	shalt  }
0x58: {  	_ =	shalt  }
0x59: {  	_ =	shalt  }
0x5a: {  	_ =	shalt  }
0x5b: {  	_ =	shalt  }
0x5c: {  	_ =	shalt  }
0x5d: {  	_ =	shalt  }
0x5e: {  	_ =	shalt  }
0x5f: {  	_ =	shalt  }
0x60: {  	_ =	shalt  }
0x61: {  	_ =	shalt  }
0x62: {  	_ =	shalt  }
0x63: {  	_ =	shalt  }
0x64: {  	_ =	shalt  }
0x65: {  	_ =	shalt  }
0x66: {  	_ =	shalt  }
0x67: {  	_ =	shalt  }
0x68: {  	_ =	shalt  }
0x69: {  	_ =	shalt  }
0x6a: {  	_ =	shalt  }
0x6b: {  	_ =	shalt  }
0x6c: {  	_ =	shalt  }
0x6d: {  	_ =	shalt  }
0x6e: {  	_ =	shalt  }
0x6f: {  	_ =	shalt  }
0x70: {  	_ =	shalt  }
0x71: {  	_ =	shalt  }
0x72: {  	_ =	shalt  }
0x73: {  	_ =	shalt  }
0x74: {  	_ =	shalt  }
0x75: {  	_ =	shalt  }
0x76: {  	_ =	shalt  }
0x77: {  	_ =	shalt  }
0x78: {  	_ =	shalt  }
0x79: {  	_ =	shalt  }
0x7a: {  	_ =	shalt  }
0x7b: {  	_ =	shalt  }
0x7c: {  	_ =	shalt  }
0x7d: {  	_ =	shalt  }
0x7e: {  	_ =	shalt  }
0x7f: {  	_ =	shalt  }
0x80: {  	_ =	shalt  }
0x81: {  	_ =	shalt  }
0x82: {  	_ =	shalt  }
0x83: {  	_ =	shalt  }
0x84: {  	_ =	shalt  }
0x85: {  	_ =	shalt  }
0x86: {  	_ =	shalt  }
0x87: {  	_ =	shalt  }
.Lfunc_end0:
.L_simem_size_0:
called_computation_lowered:
.L_overlay_start_0:
0x88: {  	s2 =	sld [smem:$0x3FD9]  }
0x89: {  	s3 =	sld [smem:$0x3FFE];
	_ =	sdelay $0x1  }
0x8a: {  	s1 =	srdreg.scid  }
0x8b: {  	s0 =	sand.u32 $0x1, s1  }
0x8c: {  	s14 =	sshll.u32 s0, $0xA;
	s2 =	sadd.s32 s3, s2  }
0x8d: {  	s2 =	sadd.s32 s2, s14  }
0x8e: {  	[smem:$0x3FC2] =	sst s2  }
0x8f: {  	_ = 	snop  }
0x90: {  	s2 =	sld [smem:$0x3FD0];
	_ =	sdelay $0x2  }
0x91: {  	s15 =	simm.s32 $0xA;
	s4 =	simm.s32 $0x10  }
0x92: {  	[smem:s4], [sflag:s15] =	dma.local [hbm:s2], $0x1  }
0x93: {  	_ =	swait.eq [sflag:s15], $0x1  }
0x94: {  	[sflag:s15] =	ssyncset.done $0x0  }
0x95: {  	s16 =	sld [smem:$0x10];
	[sflag:s15] =	ssyncadd.s32 $0xFFFFFFFF  }
0x96: {  	s17 =	sld [smem:$0x11];
	(tm) =	ssettm $0x1  }
0x97: {  	s18 =	sld [smem:$0x3FFB];
	_ =	sdelay $0x3  }
0x98: {  	_ =	strace s18  }
0x99: {  	s4 =	sld [smem:$0x3FFC];
	_ =	sdelay $0x3  }
0x9a: {  	_ =	strace s4  }
0x9b: {  	s4 =	sld [smem:$0x3FFD];
	_ =	sdelay $0x3  }
0x9c: {  	_ =	strace s4  }
0x9d: {  	_ =	strace $0x8FFFFFFF  }
0x9e: {  	s19 =	sld [smem:$0x3FDB];
	_ =	sdelay $0x1  }
0x9f: {  	s5 =	simm.s32 $_scs_section_size  }
0xa0: {  	s6 =	simm.s32 $_size__tile_overlayer_lowered;
	s7 =	simm.s32 $_tile_overlayer_lowered  }
0xa1: {  	s22 =	simm.s32 $0x1BFF;
	s21 =	sshll.u32 s7, $0x1;
	s4 =	sadd.s32 s5, s19  }
0xa2: {  	s8 =	simm.s32 $0x0;
	s20 =	sshll.u32 s6, $0x1;
	s6 =	sadd.s32 s21, s4  }
0xa3: {  	[timem:s8], [sflag:s22] =	dma.local [hbm:s6], s20  }
0xa4: {  	_ =	swait.ge [sflag:s22], s20  }
0xa5: {  	s5 =	ssub.s32 $0x0, s20;
	[sflag:s22] =	ssyncset.done $0x0  }
0xa6: {  	[sflag:s22] =	ssyncadd.s32 s5;
	_ =	sdelay $0x1  }
0xa7: {  	s23 =	simm.s32 $0x1B8B  }
0xa8: {  	_ =	swait.ge [sflag:s23], $0x1  }
0xa9: {  	[sflag:s23] =	ssyncset.done $0x0  }
0xaa: {  	s25 =	simm.s32 $0x1B8E;
	s24 =	sld [smem:$0x3FFE];
	[sflag:s23] =	ssyncadd.s32 $0xFFFFFFFF  }
0xab: {  	s26 =	simm.s32 $execute0_lowered;
	[smem:$0x3FD2] =	sst s25  }
0xac: {  	s6 =	sshll.u32 s26, $0x1;
	_ =	strace $0x80000046;
	[dreg:$0x1] =	wrdreg $0xFFFFFFFF  }
0xad: {  	s28 =	simm.s32 $_size_execute0_lowered;
	s4 =	sadd.s32 s4, s6;
	[dreg:$0x0] =	wrdreg $0x0  }
0xae: {  	s6 =	sshll.u32 s28, $0x1;
	[dreg:$0x2] =	wrdreg s4  }
0xaf: {  	[dreg:$0x3] =	wrdreg s6  }
0xb0: {  	[dreg:$0x4] =	wrdreg $0xC0  }
0xb1: {  	_ =	task [dreg:s8], $0x5FFFF  }
0xb2: {  	[dreg:$0x1] =	wrdreg $0xFFFFFFFF  }
0xb3: {  	[dreg:$0x0] =	wrdreg $0x60  }
0xb4: {  	[dreg:$0x2] =	wrdreg s24  }
0xb5: {  	[dreg:$0x3] =	wrdreg s17  }
0xb6: {  	[dreg:$0x4] =	wrdreg s16  }
0xb7: {  	[dreg:$0x5] =	wrdreg $0x9  }
0xb8: {  	_ =	task.clear_ibuf [dreg:s8], $0x6FFFF;
	_ =	strace $0x90000046  }
0xb9: {  	s29 =	simm.s32 $0x9;
	_ =	strace $0x80000048  }
0xba: {  	_ =	swait.ge [sflag:s29], $0x1  }
0xbb: {  	[sflag:s29] =	ssyncadd.s32 $0xFFFFFFFF  }
0xbc: {  	_ =	strace $0x90000048  }
0xbd: {  	_ =	sfence  }
0xbe: {  	s30 =	sld [smem:$0x0];
	_ =	sdelay $0x2  }
0xbf: {  	s31 =	sshll.u32 s1, $0xD;
	s1 =	sshrl.u32 s1, $0x2  }
0xc0: {  	s3 =	sand.u32 $0x4000, s31;
	s1 =	sadd.s32 s1, s30  }
0xc1: {  	s0 =	sor.u32 s3, s0;
	s1 =	sshll.u32 s1, $0x11  }
0xc2: {  	s0 =	sor.u32 s1, s0  }
0xc3: {  	s0 =	sadd.s32 $0x8F2B, s0  }
0xc4: {  	[sflag:s0] =	ssyncadd.remote.s32 $0x1  }
0xc5: {  	_ =	sfence.sel $0xFFFF  }
0xc6: {  	[dreg:$0x0] =	wrdreg $0xFFFFFFFF;
	(pc) =	sbr.abs _section_cstart, $3  }
0xc7: {  	[dreg:$0x1] =	wrdreg $0xFFFFFFFF  }
0xc8: {  	_ =	task.clear_ibuf [dreg:s8], $0x2FFFF;
	_ =	strace $0x9FFFFFFF  }
0xc9: {  	(tm) =	ssettm $0x7FFFFFFF  }
tec
execute0_lowered:
.L_overlay_start_1:
0x0: {  	(tag) =	ssettag $0x1  }
0x1: {  	s0 =	srdreg.scid  }
0x2: {  	s4 =	sand.u32 $0x1, s0;
	s0 =	stileid.u32  }
0x3: {  	s5 =	sor.u32 s0, s4  }
0x4: {  	p0 =	sne.s32 s5, $0x0  }
.Ltmp0:
0x5: {  	_ = 	snop;
	(pc) =	sbr.rel @p0 .LBB2_7-.Ltmp0, $4  }
0x6: {  	s6 =	rddreg [dreg:$0x0]  }
0x7: {  	s2 =	rddreg [dreg:$0x1]  }
0x8: {  	s3 =	rddreg [dreg:$0x2]  }
0x9: {  	s1 =	rddreg [dreg:$0x3];
	_ =	strace $0x80000047  }
0xa: {  	v0 =	vimm.s32 $0xFFEDCBA9  }
0xb: {  	v1 =	vimm.s32 $0x87654321;
	v2 =	vimm.s32 $0xFFFEDCBA;
	v3 =	vimm.s32 $0x98765432  }
0xc: {  	v4 =	vimm.s32 $0xBA987654;
	v0 =	vunpack.c.l.s4.s8 v0;
	v1 =	vunpack.c.l.s4.s8 v1  }
0xd: {  	vm0 =	vmmov $0x7fff;
	vm3 =	vcmask $0x1F00;
	vm1 =	vcmask $0x2F20  }
0xe: {  	v5 =	vimm.s32 $0xEDCBA987;
	v0 =	vunpack.c.0.s8.s32 v0;
	v1 =	vunpack.c.0.s8.s32 v1  }
0xf: {  	v2 =	vunpack.c.l.s4.s8 v2;
	v3 =	vunpack.c.l.s4.s8 v3;
	v4 =	vunpack.c.l.s4.s8 v4  }
0x10: {  	v6 =	vimm.s32 $0x65432100;
	v5 =	vunpack.c.l.s4.s8 v5;
	v0 =	vcombine.low v1, v0  }
0x11: {  	v1 =	vunpack.c.0.s8.s32 v2;
	v2 =	vunpack.c.0.s8.s32 v3;
	v3 =	vunpack.c.0.s8.s32 v4  }
0x12: {  	vm2 =	vmmov $0xfff;
	v6 =	vunpack.c.l.s4.s8 v6;
	v5 =	vunpack.c.0.s8.s32 v5  }
0x13: {  	v4 =	vcombine.low v2, v1;
	v1 =	vand.u32 $0xF, v3;
	v3 =	vimm.s32 $0xFEDCBA98  }
0x14: {  	v6 =	vunpack.c.0.s8.s32 v6;
	v2 =	vimm.s32 $0xF0E0D0C;
	v3 =	vunpack.c.l.s4.s8 v3  }
0x15: {  	s7 =	ssub.s32 $0x2, s4;
	vm4 =	vmmov $0x1;
	v5 =	vand.u32 $0xF, v5;
	v2 =	vunpack.c.0.s8.s32 v2  }
0x16: {  	s4 =	sadd.s32 $0x1A00, s6;
	s5 =	sadd.s32 $0x1800, s6;
	s6 =	sadd.s32 $0x1C00, s6;
	v5 =	vcombine.low v6, v5;
	v1 =	vnsel vm3, $0xF, v1;
	v7 =	vunpack.c.0.s8.s32 v3  }
0x17: {  	s9 =	simm.s32 $0x1;
	s10 =	simm.s32 $0x800;
	s11 =	simm.s32 $0x2800;
	v6 =	vimm.s32 $0xF;
	v0 =	vand.u32 $0xF, v0;
	v1 =	vsel vm1, v2, v1  }
0x18: {  	s12 =	simm.s32 $0x1800;
	s13 =	simm.s32 $0x2000;
	s8 =	sshrl.u32 s7, $0x1;
	v2 =	vimm.s32 $0x0;
	v3 =	vand.u32 $0xF, v4;
	v4 =	vand.u32 $0xF, v7  }
0x19: {  	s14 =	simm.s32 $0x0;
	s7 =	ssub.s32 s7, s8;
	s8 =	simm.s32 $0x0;
	vm1 =	vmmov $0x3fff;
	v4 =	vnsel vm3, $0xF, v4;
	vm3 =	vmmov $0xff  }
.LBB2_2:
0x1a: {  	[tilespmem:s8], [sflag:$0x1] =	stream.linear.gather [hbm4b:s4+s8], $0x800, $0x38;
	[tilespmem:$0x2880] =	vst v63  }
0x1b: {  	_ =	swait.ge [sflag:s9], $0x800  }
0x1c: {  	[sflag:s9] =	ssyncset.done $0x0  }
0x1d: {  	[sflag:s9] =	ssyncadd.s32 $0xFFFFF800  }
0x1e: {  	[tilespmem:s10], [sflag:$0x1] =	stream.linear.gather [hbm4b:s5+s8], $0x800, $0x38;
	[tilespmem:$0x2880] =	vst v63  }
0x1f: {  	_ =	swait.ge [sflag:s9], $0x800  }
0x20: {  	[sflag:s9] =	ssyncset.done $0x0  }
0x21: {  	[sflag:s9] =	ssyncadd.s32 $0xFFFFF800  }
0x22: {  	[tilespmem:s11], [sflag:$0x1] =	stream.linear.gather [hbm4b:s2+s8], $0x80, $0x38;
	[tilespmem:$0x2880] =	vst v63  }
0x23: {  	_ =	swait.ge [sflag:s9], $0x80  }
0x24: {  	[sflag:s9] =	ssyncset.done $0x0  }
0x25: {  	s15 =	simm.s32 $0x7F0;
	[sflag:s9] =	ssyncadd.s32 $0xFFFFFF80  }
0x26: {  	v7 =	vld [tilespmem:s15+$0x0];
	_ =	sdelay $0x4  }
0x27: {  	v9 =	vld [tilespmem:s15+$0x800];
	v8 =	vperm.xlane v7, v0  }
0x28: {  	v10 =	vimm.s32 $0xFFFFFFFE  }
0x29: {  	v10 =	vsel vm0, v8, v10  }
0x2a: {  	vm5 =	vne.s32 v7, v10  }
0x2b: {  	s16 =	simm.s32 $0x7E0;
	v11 =	vsel vm5, $0x1, v2  }
0x2c: {  	v12 =	vperm.xlane v9, v0;
	v8 =	vld [tilespmem:s16+$0x0];
	v13 =	vperm.xlane v11, v0  }
0x2d: {  	vm5 =	veq.s32 v7, v10  }
0x2e: {  	v10 =	vmax.f32 v9, v12;
	vm5 =	vmand vm5, vm0;
	v13 =	vor.u32 v11, v13  }
0x2f: {  	v9 =	vsel vm5, v10, v9;
	v10 =	vsel vm0, v13, v11  }
0x30: {  	v12 =	vld [tilespmem:s16+$0x800];
	v11 =	vperm.xlane v9, v3;
	v14 =	vperm.xlane v10, v3  }
0x31: {  	v7 =	vperm.xlane v7, v2;
	v15 =	vperm.xlane v8, v0;
	vm5 =	veq.s32 v10, $0x0  }
0x32: {  	vm5 =	vmand vm5, vm1;
	v11 =	vmax.f32 v9, v11;
	v14 =	vor.u32 v14, v10  }
0x33: {  	v9 =	vsel vm5, v11, v9;
	v10 =	vsel vm1, v14, v10  }
0x34: {  	v7 =	vsel vm0, v15, v7;
	v11 =	vperm.xlane v9, v1;
	v15 =	vperm.xlane v10, v1  }
0x35: {  	v16 =	vperm.xlane v12, v0;
	vm7 =	vne.s32 v8, v7;
	vm6 =	veq.s32 v10, $0x0  }
0x36: {  	vm6 =	vmand vm6, vm2;
	v11 =	vmax.f32 v9, v11;
	v14 =	vor.u32 v15, v14  }
0x37: {  	vm5 =	veq.s32 v8, v7;
	v9 =	vsel vm6, v11, v9;
	v10 =	vsel vm2, v14, v10  }
0x38: {  	v16 =	vmax.f32 v12, v16;
	v7 =	vperm.xlane v9, v4;
	v11 =	vperm.xlane v10, v4  }
0x39: {  	vm5 =	vmand vm5, vm0;
	v15 =	vsel vm7, $0x1, v2;
	vm6 =	veq.s32 v10, $0x0  }
0x3a: {  	s17 =	simm.s32 $0x7D0;
	vm6 =	vmand vm6, vm3;
	v18 =	vmax.f32 v9, v7;
	v7 =	vld [tilespmem:$0x2800];
	v11 =	vor.u32 v11, v14  }
0x3b: {  	v17 =	vperm.xlane v15, v0;
	v62 =	vsel vm6, v18, v9;
	v9 =	vsel vm3, v11, v10;
	v11 =	vld [tilespmem:s17+$0x0]  }
0x3c: {  	v13 =	vimm.f32 $0.0e+00;
	v12 =	vsel vm5, v16, v12  }
0x3d: {  	v10 =	vor.u32 v15, v17;
	v63 =	vmax.f32 v62, v13;
	vm5 =	veq.s32 v9, $0x0;
	v9 =	vld [tilespmem:s17+$0x800]  }
0x3e: {  	s18 =	simm.s32 $0x1F00;
	v14 =	vperm.xlane v12, v3;
	v13 =	vsel vm0, v10, v15;
	v10 =	vsel vm5, v63, v62  }
.LBB2_3:
0x3f: {  	p0 =	sne.s32 s18, $0x0;
	v15 =	vperm.xlane v13, v3;
	[tilespmem:s15+$0x1000] =	vst v10;
	v10 =	vperm.xlane v10, v2;
	s15 =	smov.u32 s16;
	s16 =	smov.u32 s17  }
0x40: {  	vm5 =	veq.s32 v13, $0x0;
	v17 =	vperm.xlane v8, v2;
	v16 =	vperm.xlane v11, v0;
	v8 =	vmovc v11  }
0x41: {  	vm5 =	vmand vm5, vm1;
	v11 =	vmax.f32 v12, v14;
	v14 =	vor.u32 v15, v13  }
0x42: {  	v11 =	vsel vm5, v11, v12;
	v15 =	vperm.xlane v9, v0;
	v12 =	vsel vm1, v14, v13  }
0x43: {  	v13 =	vsel vm0, v16, v17;
	v16 =	vperm.xlane v11, v1;
	v17 =	vperm.xlane v12, v1  }
0x44: {  	vm5 =	veq.s32 v8, v13;
	vm6 =	veq.s32 v12, $0x0;
	v15 =	vmax.f32 v9, v15  }
0x45: {  	vm6 =	vmand vm6, vm2;
	v16 =	vmax.f32 v11, v16;
	v14 =	vor.u32 v17, v14  }
0x46: {  	vm7 =	vne.s32 v8, v13;
	v13 =	vsel vm6, v16, v11;
	v16 =	vsel vm2, v14, v12  }
0x47: {  	v17 =	vsel vm7, $0x1, v2;
	v12 =	vperm.xlane v13, v4;
	v18 =	vperm.xlane v16, v4  }
.Ltmp1:
0x48: {  	s17 =	sshra.s32 s18, $0x2;
	vm5 =	vmand vm5, vm0;
	v19 =	vperm.xlane v17, v0;
	vm6 =	veq.s32 v16, $0x0;
	(pc) =	sbr.rel @p0 .LBB2_3-.Ltmp1, $4  }
0x49: {  	vm6 =	vmand vm6, vm3;
	v20 =	vmax.f32 v13, v12;
	v11 =	vld [tilespmem:s17+$0x0];
	v14 =	vor.u32 v18, v14  }
0x4a: {  	v12 =	vsel vm5, v15, v9;
	v15 =	vsel vm6, v20, v13;
	v13 =	vsel vm3, v14, v16  }
0x4b: {  	v14 =	vor.u32 v17, v19;
	v10 =	vmax.f32 v15, v10;
	v9 =	vld [tilespmem:s17+$0x800];
	vm5 =	veq.s32 v13, $0x0  }
0x4c: {  	s18 =	sadd.s32 $0xFFFFFFC0, s18;
	v13 =	vsel vm0, v14, v17;
	v14 =	vperm.xlane v12, v3;
	v10 =	vsel vm5, v10, v15  }
0x4d: {  	v15 =	vperm.xlane v13, v3  }
0x4e: {  	vm5 =	veq.s32 v13, $0x0;
	v8 =	vperm.xlane v8, v2;
	v16 =	vperm.xlane v11, v0  }
0x4f: {  	vm5 =	vmand vm5, vm1;
	v14 =	vmax.f32 v12, v14;
	v15 =	vor.u32 v15, v13  }
0x50: {  	v17 =	vperm.xlane v10, v2;
	v12 =	vsel vm5, v14, v12;
	v13 =	vsel vm1, v15, v13  }
0x51: {  	v8 =	vsel vm0, v16, v8;
	v14 =	vperm.xlane v12, v1;
	v61 =	vperm.xlane v13, v1  }
0x52: {  	vm5 =	veq.s32 v11, v8;
	vm6 =	veq.s32 v13, $0x0;
	vm7 =	vne.s32 v11, v8  }
0x53: {  	v8 =	vperm.xlane v9, v0;
	vm6 =	vmand vm6, vm2;
	v11 =	vsel vm7, $0x1, v2  }
0x54: {  	v14 =	vmax.f32 v12, v14;
	v15 =	vor.u32 v61, v15;
	v62 =	vperm.xlane v11, v0  }
0x55: {  	vm5 =	vmand vm5, vm0;
	v8 =	vmax.f32 v9, v8;
	v13 =	vsel vm2, v15, v13  }
0x56: {  	v12 =	vsel vm6, v14, v12;
	v14 =	vperm.xlane v13, v4;
	v16 =	vor.u32 v11, v62  }
0x57: {  	v8 =	vsel vm5, v8, v9;
	vm6 =	veq.s32 v13, $0x0;
	v9 =	vsel vm0, v16, v11  }
0x58: {  	v11 =	vor.u32 v14, v15;
	v14 =	vperm.xlane v8, v3;
	v15 =	vperm.xlane v9, v3  }
0x59: {  	v63 =	vperm.xlane v12, v4;
	vm5 =	vmand vm6, vm3;
	vm6 =	veq.s32 v9, $0x0  }
0x5a: {  	vm6 =	vmand vm6, vm1;
	v14 =	vmax.f32 v8, v14;
	v15 =	vor.u32 v15, v9  }
0x5b: {  	v16 =	vmax.f32 v12, v63;
	v8 =	vsel vm6, v14, v8;
	v9 =	vsel vm1, v15, v9  }
0x5c: {  	v11 =	vsel vm3, v11, v13;
	v13 =	vperm.xlane v8, v1;
	v14 =	vperm.xlane v9, v1  }
0x5d: {  	v12 =	vsel vm5, v16, v12;
	vm5 =	veq.s32 v11, $0x0;
	vm6 =	veq.s32 v9, $0x0  }
0x5e: {  	vm6 =	vmand vm6, vm2;
	v11 =	vmax.f32 v8, v13;
	v13 =	vor.u32 v14, v15  }
0x5f: {  	v14 =	vmax.f32 v12, v17;
	v8 =	vsel vm6, v11, v8;
	v9 =	vsel vm2, v13, v9  }
0x60: {  	v11 =	vsel vm5, v14, v12;
	v12 =	vperm.xlane v8, v4;
	v14 =	vperm.xlane v9, v4  }
0x61: {  	v15 =	vperm.xlane v11, v2;
	vm5 =	veq.s32 v9, $0x0  }
0x62: {  	vm5 =	vmand vm5, vm3;
	v12 =	vmax.f32 v8, v12;
	v13 =	vor.u32 v14, v13  }
0x63: {  	v8 =	vsel vm5, v12, v8;
	v9 =	vsel vm3, v13, v9  }
0x64: {  	[tilespmem:s15+$0x1000] =	vst v10;
	vm5 =	veq.s32 v9, $0x0;
	v9 =	vmax.f32 v8, v15  }
0x65: {  	[tilespmem:s16+$0x1000] =	vst v11;
	v8 =	vsel vm5, v9, v8  }
0x66: {  	s16 =	simm.s32 $0x0;
	[tilespmem:s17+$0x1000] =	vst v8  }
0x67: {  	v9 =	vld [tilespmem:s16+$0x0];
	_ =	sdelay $0x4  }
0x68: {  	v8 =	vperm.xlane v9, v5  }
0x69: {  	v11 =	vimm.s32 $0xFFFFFFFF;
	v10 =	vld [tilespmem:s16+$0x1000]  }
0x6a: {  	s15 =	simm.s32 $0x10;
	v8 =	vsel vm4, v11, v8  }
0x6b: {  	vm6 =	vne.s32 v9, v8;
	v8 =	vld [tilespmem:s15+$0x0];
	_ =	sdelay $0x1  }
0x6c: {  	vm5 =	vne.s32 v9, $0x0  }
0x6d: {  	vm7 =	vmand vm5, vm6;
	vm5 =	vlt.f32 v10, $9.900000090e-01  }
0x6e: {  	s17 =	simm.s32 $0x80;
	v10 =	vld [tilespmem:s15+$0x1000];
	v11 =	vnsel vm6, $0x0, v9;
	vm5 =	vmand vm5, vm7;
	v12 =	vsel vm7, $0x1, v2  }
.LBB2_5:
0x6f: {  	s18 =	sshra.s32 s17, $0x2;
	p0 =	sne.s32 s17, $0x1FC0;
	s17 =	sadd.s32 $0x40, s17;
	v13 =	vperm.xlane v8, v5;
	v11 =	vsel vm5, v7, v11;
	[tilespmem:s16+$0x2000] =	vst v12;
	v12 =	vperm.xlane v9, v6  }
.Ltmp2:
0x70: {  	v9 =	vmov v8;
	[tilespmem:s16+$0x1800] =	vst v11;
	v8 =	vld [tilespmem:s18+$0x0];
	s16 =	smov.u32 s15;
	s15 =	smov.u32 s18;
	(pc) =	sbr.rel @p0 .LBB2_5-.Ltmp2, $4  }
0x71: {  	v11 =	vsel vm4, v12, v13  }
0x72: {  	vm5 =	vne.s32 v9, $0x0;
	vm6 =	vne.s32 v9, v11  }
0x73: {  	vm7 =	vmand vm5, vm6;
	vm5 =	vlt.f32 v10, $9.900000090e-01  }
0x74: {  	v11 =	vnsel vm6, $0x0, v9;
	v10 =	vld [tilespmem:s15+$0x1000];
	vm5 =	vmand vm5, vm7;
	v12 =	vsel vm7, $0x1, v2  }
0x75: {  	v13 =	vperm.xlane v8, v5;
	v9 =	vperm.xlane v9, v6;
	_ =	sdelay $0x1  }
0x76: {  	v9 =	vsel vm4, v9, v13  }
0x77: {  	vm7 =	vne.s32 v8, $0x0;
	vm6 =	vne.s32 v8, v9  }
0x78: {  	v62 =	vsel vm5, v7, v11;
	[tilespmem:s16+$0x2000] =	vst v12;
	vm5 =	vmand vm7, vm6;
	vm7 =	vlt.f32 v10, $9.900000090e-01  }
0x79: {  	[tilespmem:s16+$0x1800] =	vst v62;
	v8 =	vnsel vm6, $0x0, v8;
	vm7 =	vmand vm7, vm5;
	v63 =	vsel vm5, $0x1, v2  }
0x7a: {  	v7 =	vsel vm7, v7, v8;
	[tilespmem:s15+$0x2000] =	vst v63  }
0x7b: {  	[tilespmem:s15+$0x1800] =	vst v7  }
0x7c: {  	[hbm4b:s3+s8] =	stream.linear.scatter [tilespmem:s12], [sflag:$0x1], $0x800, $0x38;
	[tilespmem:$0x2880] =	vst v63  }
0x7d: {  	s14 =	sadd.s32 $0x1, s14;
	_ =	swait.ge [sflag:s9], $0x800  }
0x7e: {  	p0 =	sne.s32 s14, s7;
	[sflag:s9] =	ssyncset.done $0x0  }
.Ltmp3:
0x7f: {  	[sflag:s9] =	ssyncadd.s32 $0xFFFFF800;
	(pc) =	sbr.rel @p0 .LBB2_2-.Ltmp3, $4  }
0x80: {  	[hbm4b:s6+s8] =	stream.linear.scatter [tilespmem:s13], [sflag:$0x1], $0x800, $0x38;
	[tilespmem:$0x2880] =	vst v63  }
0x81: {  	_ =	swait.ge [sflag:s9], $0x800  }
0x82: {  	[sflag:s9] =	ssyncset.done $0x0  }
0x83: {  	[sflag:s9] =	ssyncadd.s32 $0xFFFFF800  }
.LBB2_7:
0x84: {  	_ =	sfence.sel $0x180000  }
0x85: {  	[bflag:$0x0] =	sbarrier.arrive $0xFFFF  }
0x86: {  	p0 =	sne.s32 s0, $0x0;
	_ =	strace $0x90000047  }
0x87: {  	s0 =	sadd.s32 @!p0 $0x100000, s1;
	[bflag:$0x2] =	sbarrier.arrive $0xFFFF  }
0x88: {  	[sflag:s0] =	ssyncadd.tile.s32 @!p0 $0x1;
	_ =	shalt  }
.Lfunc_end2:
_tile_overlayer_lowered:
.L_overlay_start_2:
0x89: {  	(tag) =	ssettag $0x2  }
0x8a: {  	s0 =	rddreg [dreg:$0x0];
	s2 =	stileid.u32  }
0x8b: {  	s1 =	rddreg [dreg:$0x1];
	p0 =	sne.s32 s2, $0x0  }
0x8c: {  	s3 =	rddreg [dreg:$0x2];
	[bflag:$0x3] =	sbarrier.arrive $0xFFFF;
	s2 =	simm.s32 @!p0 $0x1C01  }
0x8d: {  	[timem:s3], [sflag:s2] =	dma.local @!p0 [hbm:s0], s1  }
0x8e: {  	s0 =	simm.s32 @!p0 $0x1  }
0x8f: {  	_ =	swait.ge @!p0 [sflag:s0], s1  }
0x90: {  	s1 =	ssub.s32 @!p0 $0x0, s1;
	[sflag:s0] =	ssyncset.done @!p0 $0x0  }
0x91: {  	[sflag:s0] =	ssyncadd.s32 @!p0 s1  }
0x92: {  	[bflag:$0x3] =	sbarrier.arrive $0xFFFF  }
0x93: {  	_ =	shalt  }

</sc_bundles>
